<compile_context>
chip_gen: v7x
topology: tpu7x:2x2x1
jax: 0.10.2.dev20260603
libtpu: 0.0.44.dev20260713+nightly
codegen_flags: <defaults>
</compile_context>

<pallas_src>
import functools

import jax
import jax.numpy as jnp
from jax import lax
from jax.experimental import pallas as pl
from jax.experimental.pallas import tpu as pltpu
from jax.experimental.pallas import tpu_sc as plsc

NC = 2
NS = 16
NW = NC * NS

C = 80


def _sc_scatter_parts(ea1, ea2, idx1, idx2, zrows, n_pad):
    e, d = ea1.shape
    ew = e // NW
    t = ew // C
    rows_sub = n_pad // NS

    mesh = plsc.VectorSubcoreMesh(core_axis_name="c", subcore_axis_name="s")

    @functools.partial(
        pl.kernel,
        out_type=jax.ShapeDtypeStruct((NC, n_pad, d), jnp.float32),
        mesh=mesh,
        scratch_types=[
            pltpu.VMEM_SHARED((n_pad, d), jnp.float32),
            [pltpu.VMEM((C, d), jnp.float32)] * 4,
            [pltpu.VMEM((1, C), jnp.int32)] * 4,
            [pltpu.SemaphoreType.DMA] * 4,
            [pltpu.SemaphoreType.DMA] * 4,
            [pltpu.SemaphoreType.DMA] * 4,
        ],
    )
    def sc_kernel(ea1_hbm, ea2_hbm, i1_hbm, i2_hbm, z_hbm, parts_hbm,
                  acc, ebufs, ibufs, sem_e, sem_i, sem_s):
        c = lax.axis_index("c")
        s = lax.axis_index("s")
        wid = c * NS + s
        base_e = wid * ew
        base_i = wid * t
        arrs = ((ea1_hbm, i1_hbm), (ea2_hbm, i2_hbm))

        def start_loads(a, b, q):
            ea_hbm, ii_hbm = arrs[a]
            k = 2 * a + b
            pltpu.async_copy(ii_hbm.at[pl.ds(base_i + q, 1)], ibufs[k], sem_i[k])
            pltpu.async_copy(ea_hbm.at[pl.ds(base_e + q * C, C)], ebufs[k], sem_e[k])

        def wait_loads(a, b):
            ea_hbm, ii_hbm = arrs[a]
            k = 2 * a + b
            pltpu.make_async_copy(ii_hbm.at[pl.ds(base_i, 1)], ibufs[k], sem_i[k]).wait()
            pltpu.make_async_copy(ea_hbm.at[pl.ds(base_e, C)], ebufs[k], sem_e[k]).wait()

        def start_scatter(a, b):
            k = 2 * a + b
            pltpu.async_copy(ebufs[k], acc.at[ibufs[k].at[0]], sem_s[k], add=True)

        def wait_scatter(a, b):
            k = 2 * a + b
            pltpu.make_async_copy(ebufs[k], acc.at[ibufs[k].at[0]], sem_s[k]).wait()

        for b in (0, 1):
            for a in (0, 1):
                start_loads(a, b, b)

        pltpu.sync_copy(z_hbm, acc.at[pl.ds(s * rows_sub, rows_sub)])

        plsc.subcore_barrier()

        @pl.loop(0, t - 1, step=2)
        def _(m):
            for b in (0, 1):
                q = m + b
                for a in (0, 1):
                    wait_loads(a, b)
                    start_scatter(a, b)
                    wait_scatter(a, b)

                    @pl.when(q + 2 < t)
                    def _():
                        start_loads(a, b, q + 2)

        for a in (0, 1):
            wait_loads(a, 0)
            start_scatter(a, 0)
            wait_scatter(a, 0)

        plsc.subcore_barrier()

        r = s * rows_sub
        pltpu.sync_copy(acc.at[pl.ds(r, rows_sub)],
                        parts_hbm.at[c, pl.ds(r, rows_sub)])

    return sc_kernel(ea1, ea2, idx1, idx2, zrows)


def _tc_pool_body(parts_ref, ea0_ref, batch_ref, wt_ref, b_ref, out_ref,
                  acc_ref, cnt_ref, *, nb, g):
    i = pl.program_id(0)

    @pl.when(i == 0)
    def _():
        acc_ref[...] = jnp.zeros_like(acc_ref)
        cnt_ref[...] = jnp.zeros_like(cnt_ref)

    x = parts_ref[0] + parts_ref[1] + ea0_ref[...]
    h = jnp.dot(x, wt_ref[...], preferred_element_type=jnp.float32) + b_ref[...]
    h = jnp.where(h > 0, h, jnp.exp(jnp.minimum(h, 0.0)) - 1.0)

    bt = batch_ref[0, 0, :]
    gid = lax.broadcasted_iota(jnp.int32, (g, bt.shape[0]), 0)
    mask = (bt[None, :] == gid).astype(jnp.float32)
    acc_ref[...] += jnp.dot(mask, h, preferred_element_type=jnp.float32)
    cnt_ref[...] += jnp.broadcast_to(
        jnp.sum(mask, axis=1)[:, None], cnt_ref.shape)

    @pl.when(i == nb - 1)
    def _():
        out_ref[...] = acc_ref[...] / jnp.maximum(cnt_ref[...], 1.0)


def _tc_pool(parts, ea0p, batch3, wt, b2, bn, g):
    n, d = ea0p.shape
    nb = n // bn
    return pl.pallas_call(
        functools.partial(_tc_pool_body, nb=nb, g=g),
        grid=(nb,),
        in_specs=[
            pl.BlockSpec((NC, bn, d), lambda i: (0, i, 0)),
            pl.BlockSpec((bn, d), lambda i: (i, 0)),
            pl.BlockSpec((1, 1, bn), lambda i: (i, 0, 0)),
            pl.BlockSpec((d, d), lambda i: (0, 0)),
            pl.BlockSpec((1, d), lambda i: (0, 0)),
        ],
        out_specs=pl.BlockSpec((g, d), lambda i: (0, 0)),
        out_shape=jax.ShapeDtypeStruct((g, d), jnp.float32),
        scratch_shapes=[
            pltpu.VMEM((g, d), jnp.float32),
            pltpu.VMEM((g, 128), jnp.float32),
        ],
    )(parts, ea0p, batch3, wt, b2)


def kernel(edge_attr_0, edge_attr_1, edge_attr_2, edge_index_1, edge_index_2,
           num_nodes, batch, W, b):
    n, d = edge_attr_0.shape
    e = edge_attr_1.shape[0]
    g = 64
    bn = 2000
    n_pad = 10240

    idx1 = edge_index_1[0].astype(jnp.int32).reshape(e // C, C)
    idx2 = edge_index_2[0].astype(jnp.int32).reshape(e // C, C)
    zrows = jnp.zeros((n_pad // NS, d), jnp.float32)

    parts = _sc_scatter_parts(edge_attr_1, edge_attr_2, idx1, idx2, zrows, n_pad)

    batch3 = batch.astype(jnp.int32).reshape(n // bn, 1, bn)
    wt = W.T
    b2 = b.reshape(1, d)

    return _tc_pool(parts, edge_attr_0, batch3, wt, b2, bn, g)

# --- scband reference (transcript-rebuilt; emitter-appended) ---
"""Pipeline reference for scband-graph-level-pooling-22256520528423 (READ-ONLY COPY).

The authoritative reference and input builder live on the scoring server;
editing this copy changes nothing except your own understanding.
"""

import jax, jax.numpy as jnp
import numpy as np

N, E, D, G = 10000, 320000, 128, 64

def setup_inputs(seed: int = 0) -> dict:
    key = jax.random.key(seed)
    ks = jax.random.split(key, 8)
    edge_attr_0 = jax.random.normal(ks[0], (N, D), dtype=jnp.float32)
    edge_attr_1 = jax.random.normal(ks[1], (E, D), dtype=jnp.float32)
    edge_attr_2 = jax.random.normal(ks[2], (E, D), dtype=jnp.float32)
    edge_index_1 = jax.random.randint(ks[3], (2, E), 0, N)
    edge_index_2 = jax.random.randint(ks[4], (2, E), 0, N)
    batch = jnp.sort(jax.random.randint(ks[5], (N,), 0, G))
    # nn.Linear(hidden, hidden) params
    W = jax.random.normal(ks[6], (D, D), dtype=jnp.float32) * (1.0 / np.sqrt(D))
    b = jax.random.normal(ks[7], (D,), dtype=jnp.float32) * (1.0 / np.sqrt(D))
    return {
        "edge_attr_0": edge_attr_0,
        "edge_attr_1": edge_attr_1,
        "edge_attr_2": edge_attr_2,
        "edge_index_1": edge_index_1,
        "edge_index_2": edge_index_2,
        "num_nodes": N,
        "batch": batch,
        "W": W,
        "b": b,
    }

def reference(edge_attr_0, edge_attr_1, edge_attr_2, edge_index_1, edge_index_2, num_nodes, batch, W, b):
    num_graphs = G
    num_nodes_static = edge_attr_0.shape[0]
    # sum over hops i=1..list_len-1 of scatter_add(edge_attr[i], edge_index[i-1][0])
    s1 = jax.ops.segment_sum(edge_attr_1, edge_index_1[0], num_segments=num_nodes_static)
    s2 = jax.ops.segment_sum(edge_attr_2, edge_index_2[0], num_segments=num_nodes_static)
    node_emb = s1 + s2 + jnp.zeros((), edge_attr_0.dtype) * num_nodes
    # node_emb = elu(lin(node_emb + edge_attr_list[0]))
    h = jax.nn.elu((node_emb + edge_attr_0) @ W.T + b)
    # scatter mean over batch assignment
    sums = jax.ops.segment_sum(h, batch, num_segments=num_graphs)
    counts = jax.ops.segment_sum(jnp.ones((h.shape[0], 1), dtype=h.dtype), batch, num_segments=num_graphs)
    return sums / jnp.clip(counts, 1.0)

if __name__ == "__main__":
    import jax
    _d = setup_inputs()
    print(jax.jit(kernel)(*tuple(_d.values())))

</pallas_src>

<mosaic_0001>
#map = affine_map<(d0, d1) -> (0, 0)>
#map1 = affine_map<(d0, d1) -> (0, 0, 0)>
module attributes {stable_mosaic.version = 14 : i64} {
  func.func @sc_kernel(%arg0: i32, %arg1: i32, %arg2: memref<320000x128xf32, #tpu.memory_space<hbm>>, %arg3: memref<320000x128xf32, #tpu.memory_space<hbm>>, %arg4: memref<4000x80xi32, #tpu.memory_space<hbm>>, %arg5: memref<4000x80xi32, #tpu.memory_space<hbm>>, %arg6: memref<640x128xf32, #tpu.memory_space<hbm>>, %arg7: memref<2x10240x128xf32, #tpu.memory_space<hbm>>, %arg8: memref<10240x128xf32, #tpu.memory_space<vmem_shared>>, %arg9: memref<80x128xf32, #tpu.memory_space<vmem>>, %arg10: memref<80x128xf32, #tpu.memory_space<vmem>>, %arg11: memref<80x128xf32, #tpu.memory_space<vmem>>, %arg12: memref<80x128xf32, #tpu.memory_space<vmem>>, %arg13: memref<1x80xi32, #tpu.memory_space<vmem>>, %arg14: memref<1x80xi32, #tpu.memory_space<vmem>>, %arg15: memref<1x80xi32, #tpu.memory_space<vmem>>, %arg16: memref<1x80xi32, #tpu.memory_space<vmem>>, %arg17: memref<!tpu.dma_semaphore, #tpu.memory_space<semaphore_mem>>, %arg18: memref<!tpu.dma_semaphore, #tpu.memory_space<semaphore_mem>>, %arg19: memref<!tpu.dma_semaphore, #tpu.memory_space<semaphore_mem>>, %arg20: memref<!tpu.dma_semaphore, #tpu.memory_space<semaphore_mem>>, %arg21: memref<!tpu.dma_semaphore, #tpu.memory_space<semaphore_mem>>, %arg22: memref<!tpu.dma_semaphore, #tpu.memory_space<semaphore_mem>>, %arg23: memref<!tpu.dma_semaphore, #tpu.memory_space<semaphore_mem>>, %arg24: memref<!tpu.dma_semaphore, #tpu.memory_space<semaphore_mem>>, %arg25: memref<!tpu.dma_semaphore, #tpu.memory_space<semaphore_mem>>, %arg26: memref<!tpu.dma_semaphore, #tpu.memory_space<semaphore_mem>>, %arg27: memref<!tpu.dma_semaphore, #tpu.memory_space<semaphore_mem>>, %arg28: memref<!tpu.dma_semaphore, #tpu.memory_space<semaphore_mem>>) attributes {dimension_semantics = [#tpu.dimension_semantics<core_parallel>, #tpu.dimension_semantics<subcore_parallel>], iteration_bounds = array<i64: 2, 16>, scalar_prefetch = 0 : i64, scratch_operands = 21 : i64, tpu.core_type = #tpu.core_type<sc_vector_subcore>, window_params = [{transform_indices = #map}, {transform_indices = #map}, {transform_indices = #map}, {transform_indices = #map}, {transform_indices = #map}, {transform_indices = #map1}]} {
    %mul3A = arith.constant 16 : i32
    %mul3A_0 = arith.muli %arg0, %mul3A : i32
    %add3A = arith.addi %mul3A_0, %arg1 : i32
    %mul3A_1 = arith.constant 10000 : i32
    %mul3A_2 = arith.muli %add3A, %mul3A_1 : i32
    %mul3A_3 = arith.constant 125 : i32
    %mul3A_4 = arith.muli %add3A, %mul3A_3 : i32
    %add3A_5 = arith.constant 0 : i32
    %add3A_6 = arith.addi %mul3A_4, %add3A_5 : i32
    %dma_start3A = arith.constant 0 : i32
    %dma_start3A_7 = tpu.memref_slice %arg4[%add3A_6, %dma_start3A] : memref<4000x80xi32, #tpu.memory_space<hbm>> -> memref<1x80xi32, #tpu.memory_space<hbm>>
    %dma_start3A_8 = arith.constant 0 : i32
    %dma_start3A_9 = tpu.memref_slice %arg4[%add3A_6, %dma_start3A_8] : memref<4000x80xi32, #tpu.memory_space<hbm>> -> memref<1x80xi32, #tpu.memory_space<hbm>>
    tpu.enqueue_dma source(%dma_start3A_9 : memref<1x80xi32, #tpu.memory_space<hbm>>) target(%arg13 : memref<1x80xi32, #tpu.memory_space<vmem>>) target_semaphore(%arg21 : memref<!tpu.dma_semaphore, #tpu.memory_space<semaphore_mem>>)
    %add3A_10 = arith.constant 0 : i32
    %add3A_11 = arith.addi %mul3A_2, %add3A_10 : i32
    %dma_start3A_12 = arith.constant 0 : i32
    %dma_start3A_13 = tpu.memref_slice %arg2[%add3A_11, %dma_start3A_12] : memref<320000x128xf32, #tpu.memory_space<hbm>> -> memref<80x128xf32, #tpu.memory_space<hbm>>
    %dma_start3A_14 = arith.constant 0 : i32
    %dma_start3A_15 = tpu.memref_slice %arg2[%add3A_11, %dma_start3A_14] : memref<320000x128xf32, #tpu.memory_space<hbm>> -> memref<80x128xf32, #tpu.memory_space<hbm>>
    tpu.enqueue_dma source(%dma_start3A_15 : memref<80x128xf32, #tpu.memory_space<hbm>>) target(%arg9 : memref<80x128xf32, #tpu.memory_space<vmem>>) target_semaphore(%arg17 : memref<!tpu.dma_semaphore, #tpu.memory_space<semaphore_mem>>)
    %add3A_16 = arith.constant 0 : i32
    %add3A_17 = arith.addi %mul3A_4, %add3A_16 : i32
    %dma_start3A_18 = arith.constant 0 : i32
    %dma_start3A_19 = tpu.memref_slice %arg5[%add3A_17, %dma_start3A_18] : memref<4000x80xi32, #tpu.memory_space<hbm>> -> memref<1x80xi32, #tpu.memory_space<hbm>>
    %dma_start3A_20 = arith.constant 0 : i32
    %dma_start3A_21 = tpu.memref_slice %arg5[%add3A_17, %dma_start3A_20] : memref<4000x80xi32, #tpu.memory_space<hbm>> -> memref<1x80xi32, #tpu.memory_space<hbm>>
    tpu.enqueue_dma source(%dma_start3A_21 : memref<1x80xi32, #tpu.memory_space<hbm>>) target(%arg15 : memref<1x80xi32, #tpu.memory_space<vmem>>) target_semaphore(%arg23 : memref<!tpu.dma_semaphore, #tpu.memory_space<semaphore_mem>>)
    %add3A_22 = arith.constant 0 : i32
    %add3A_23 = arith.addi %mul3A_2, %add3A_22 : i32
    %dma_start3A_24 = arith.constant 0 : i32
    %dma_start3A_25 = tpu.memref_slice %arg3[%add3A_23, %dma_start3A_24] : memref<320000x128xf32, #tpu.memory_space<hbm>> -> memref<80x128xf32, #tpu.memory_space<hbm>>
    %dma_start3A_26 = arith.constant 0 : i32
    %dma_start3A_27 = tpu.memref_slice %arg3[%add3A_23, %dma_start3A_26] : memref<320000x128xf32, #tpu.memory_space<hbm>> -> memref<80x128xf32, #tpu.memory_space<hbm>>
    tpu.enqueue_dma source(%dma_start3A_27 : memref<80x128xf32, #tpu.memory_space<hbm>>) target(%arg11 : memref<80x128xf32, #tpu.memory_space<vmem>>) target_semaphore(%arg19 : memref<!tpu.dma_semaphore, #tpu.memory_space<semaphore_mem>>)
    %add3A_28 = arith.constant 1 : i32
    %add3A_29 = arith.addi %mul3A_4, %add3A_28 : i32
    %dma_start3A_30 = arith.constant 0 : i32
    %dma_start3A_31 = tpu.memref_slice %arg4[%add3A_29, %dma_start3A_30] : memref<4000x80xi32, #tpu.memory_space<hbm>> -> memref<1x80xi32, #tpu.memory_space<hbm>>
    %dma_start3A_32 = arith.constant 0 : i32
    %dma_start3A_33 = tpu.memref_slice %arg4[%add3A_29, %dma_start3A_32] : memref<4000x80xi32, #tpu.memory_space<hbm>> -> memref<1x80xi32, #tpu.memory_space<hbm>>
    tpu.enqueue_dma source(%dma_start3A_33 : memref<1x80xi32, #tpu.memory_space<hbm>>) target(%arg14 : memref<1x80xi32, #tpu.memory_space<vmem>>) target_semaphore(%arg22 : memref<!tpu.dma_semaphore, #tpu.memory_space<semaphore_mem>>)
    %add3A_34 = arith.constant 80 : i32
    %add3A_35 = arith.addi %mul3A_2, %add3A_34 : i32
    %dma_start3A_36 = arith.constant 0 : i32
    %dma_start3A_37 = tpu.memref_slice %arg2[%add3A_35, %dma_start3A_36] : memref<320000x128xf32, #tpu.memory_space<hbm>> -> memref<80x128xf32, #tpu.memory_space<hbm>>
    %dma_start3A_38 = arith.constant 0 : i32
    %dma_start3A_39 = tpu.memref_slice %arg2[%add3A_35, %dma_start3A_38] : memref<320000x128xf32, #tpu.memory_space<hbm>> -> memref<80x128xf32, #tpu.memory_space<hbm>>
    tpu.enqueue_dma source(%dma_start3A_39 : memref<80x128xf32, #tpu.memory_space<hbm>>) target(%arg10 : memref<80x128xf32, #tpu.memory_space<vmem>>) target_semaphore(%arg18 : memref<!tpu.dma_semaphore, #tpu.memory_space<semaphore_mem>>)
    %add3A_40 = arith.constant 1 : i32
    %add3A_41 = arith.addi %mul3A_4, %add3A_40 : i32
    %dma_start3A_42 = arith.constant 0 : i32
    %dma_start3A_43 = tpu.memref_slice %arg5[%add3A_41, %dma_start3A_42] : memref<4000x80xi32, #tpu.memory_space<hbm>> -> memref<1x80xi32, #tpu.memory_space<hbm>>
    %dma_start3A_44 = arith.constant 0 : i32
    %dma_start3A_45 = tpu.memref_slice %arg5[%add3A_41, %dma_start3A_44] : memref<4000x80xi32, #tpu.memory_space<hbm>> -> memref<1x80xi32, #tpu.memory_space<hbm>>
    tpu.enqueue_dma source(%dma_start3A_45 : memref<1x80xi32, #tpu.memory_space<hbm>>) target(%arg16 : memref<1x80xi32, #tpu.memory_space<vmem>>) target_semaphore(%arg24 : memref<!tpu.dma_semaphore, #tpu.memory_space<semaphore_mem>>)
    %add3A_46 = arith.constant 80 : i32
    %add3A_47 = arith.addi %mul3A_2, %add3A_46 : i32
    %dma_start3A_48 = arith.constant 0 : i32
    %dma_start3A_49 = tpu.memref_slice %arg3[%add3A_47, %dma_start3A_48] : memref<320000x128xf32, #tpu.memory_space<hbm>> -> memref<80x128xf32, #tpu.memory_space<hbm>>
    %dma_start3A_50 = arith.constant 0 : i32
    %dma_start3A_51 = tpu.memref_slice %arg3[%add3A_47, %dma_start3A_50] : memref<320000x128xf32, #tpu.memory_space<hbm>> -> memref<80x128xf32, #tpu.memory_space<hbm>>
    tpu.enqueue_dma source(%dma_start3A_51 : memref<80x128xf32, #tpu.memory_space<hbm>>) target(%arg12 : memref<80x128xf32, #tpu.memory_space<vmem>>) target_semaphore(%arg20 : memref<!tpu.dma_semaphore, #tpu.memory_space<semaphore_mem>>)
    %mul3A_52 = arith.constant 640 : i32
    %mul3A_53 = arith.muli %arg1, %mul3A_52 : i32
    "tpu.region"() ({
      %run_scoped3A = tpu.sem_alloc : memref<!tpu.dma_semaphore, #tpu.memory_space<semaphore_mem>>
      %dma_start3A_104 = arith.constant 0 : i32
      %dma_start3A_105 = tpu.memref_slice %arg8[%mul3A_53, %dma_start3A_104] : memref<10240x128xf32, #tpu.memory_space<vmem_shared>> -> memref<640x128xf32, #tpu.memory_space<vmem_shared>>
      tpu.enqueue_dma source(%arg6 : memref<640x128xf32, #tpu.memory_space<hbm>>) target(%dma_start3A_105 : memref<640x128xf32, #tpu.memory_space<vmem_shared>>) target_semaphore(%run_scoped3A : memref<!tpu.dma_semaphore, #tpu.memory_space<semaphore_mem>>)
      %dma_wait3A_106 = arith.constant 0 : i32
      %dma_wait3A_107 = tpu.memref_slice %arg8[%mul3A_53, %dma_wait3A_106] : memref<10240x128xf32, #tpu.memory_space<vmem_shared>> -> memref<640x128xf32, #tpu.memory_space<vmem_shared>>
      tpu.wait_dma2 semaphore(%run_scoped3A : memref<!tpu.dma_semaphore, #tpu.memory_space<semaphore_mem>>) src(%arg6 : memref<640x128xf32, #tpu.memory_space<hbm>>) dst(%dma_wait3A_107 : memref<640x128xf32, #tpu.memory_space<vmem_shared>>)
      tpu.yield
    }) : () -> ()
    %barrier3A = arith.constant 0 : index
    tpu.barrier barrier_id(%barrier3A)
    %scan3A = arith.constant 0 : i32
    %scan3A_54 = arith.constant 62 : i32
    %scan3A_55 = arith.addi %scan3A, %scan3A_54 : i32
    %scan3A_56 = arith.constant 1 : i32
    scf.for %scan3A_104 = %scan3A to %scan3A_55 step %scan3A_56  : i32 {
      %mul3A_105 = arith.constant 2 : i32
      %mul3A_106 = arith.muli %scan3A_104, %mul3A_105 : i32
      %add3A_107 = arith.constant 0 : i32
      %add3A_108 = arith.addi %add3A_107, %mul3A_106 : i32
      %add3A_109 = arith.constant 0 : i32
      %add3A_110 = arith.addi %add3A_108, %add3A_109 : i32
      %dma_wait3A_111 = arith.constant 0 : i32
      %dma_wait3A_112 = tpu.memref_slice %arg4[%mul3A_4, %dma_wait3A_111] : memref<4000x80xi32, #tpu.memory_space<hbm>> -> memref<1x80xi32, #tpu.memory_space<hbm>>
      %dma_wait3A_113 = arith.constant 0 : i32
      %dma_wait3A_114 = tpu.memref_slice %arg4[%mul3A_4, %dma_wait3A_113] : memref<4000x80xi32, #tpu.memory_space<hbm>> -> memref<1x80xi32, #tpu.memory_space<hbm>>
      tpu.wait_dma2 semaphore(%arg21 : memref<!tpu.dma_semaphore, #tpu.memory_space<semaphore_mem>>) src(%dma_wait3A_114 : memref<1x80xi32, #tpu.memory_space<hbm>>) dst(%arg13 : memref<1x80xi32, #tpu.memory_space<vmem>>)
      %dma_wait3A_115 = arith.constant 0 : i32
      %dma_wait3A_116 = tpu.memref_slice %arg2[%mul3A_2, %dma_wait3A_115] : memref<320000x128xf32, #tpu.memory_space<hbm>> -> memref<80x128xf32, #tpu.memory_space<hbm>>
      %dma_wait3A_117 = arith.constant 0 : i32
      %dma_wait3A_118 = tpu.memref_slice %arg2[%mul3A_2, %dma_wait3A_117] : memref<320000x128xf32, #tpu.memory_space<hbm>> -> memref<80x128xf32, #tpu.memory_space<hbm>>
      tpu.wait_dma2 semaphore(%arg17 : memref<!tpu.dma_semaphore, #tpu.memory_space<semaphore_mem>>) src(%dma_wait3A_118 : memref<80x128xf32, #tpu.memory_space<hbm>>) dst(%arg9 : memref<80x128xf32, #tpu.memory_space<vmem>>)
      %dma_start3A_119 = arith.constant 0 : i32
      %dma_start3A_120 = arith.constant 0 : i32
      %dma_start3A_121 = tpu.memref_slice %arg13[%dma_start3A_119, %dma_start3A_120] : memref<1x80xi32, #tpu.memory_space<vmem>> -> memref<1x80xi32, #tpu.memory_space<vmem>>
      %dma_start3A_122 = tpu.memref_squeeze %dma_start3A_121 : memref<1x80xi32, #tpu.memory_space<vmem>> -> memref<80xi32, #tpu.memory_space<vmem>>
      %dma_start3A_123 = arith.constant 0 : i32
      %dma_start3A_124 = arith.constant 0 : i32
      %dma_start3A_125 = tpu.memref_slice %arg8[%dma_start3A_123, %dma_start3A_124] : memref<10240x128xf32, #tpu.memory_space<vmem_shared>> -> memref<10240x128xf32, #tpu.memory_space<vmem_shared>>
      tpu.enqueue_indirect_dma source(%arg9 : memref<80x128xf32, #tpu.memory_space<vmem>>) target(%dma_start3A_125 : memref<10240x128xf32, #tpu.memory_space<vmem_shared>>) offsets(%dma_start3A_122 : memref<80xi32, #tpu.memory_space<vmem>>) semaphore(%arg25 : memref<!tpu.dma_semaphore, #tpu.memory_space<semaphore_mem>>) {add = true}
      %dma_wait3A_126 = arith.constant 0 : i32
      %dma_wait3A_127 = arith.constant 0 : i32
      %dma_wait3A_128 = tpu.memref_slice %arg13[%dma_wait3A_126, %dma_wait3A_127] : memref<1x80xi32, #tpu.memory_space<vmem>> -> memref<1x80xi32, #tpu.memory_space<vmem>>
      %dma_wait3A_129 = tpu.memref_squeeze %dma_wait3A_128 : memref<1x80xi32, #tpu.memory_space<vmem>> -> memref<80xi32, #tpu.memory_space<vmem>>
      %dma_wait3A_130 = arith.constant 0 : i32
      %dma_wait3A_131 = arith.constant 0 : i32
      %dma_wait3A_132 = tpu.memref_slice %arg8[%dma_wait3A_130, %dma_wait3A_131] : memref<10240x128xf32, #tpu.memory_space<vmem_shared>> -> memref<10240x128xf32, #tpu.memory_space<vmem_shared>>
      tpu.wait_indirect_dma semaphore(%arg25 : memref<!tpu.dma_semaphore, #tpu.memory_space<semaphore_mem>>) src(%arg9 : memref<80x128xf32, #tpu.memory_space<vmem>>) dst(%dma_wait3A_132 : memref<10240x128xf32, #tpu.memory_space<vmem_shared>>)
      %add3A_133 = arith.constant 2 : i32
      %add3A_134 = arith.addi %add3A_110, %add3A_133 : i32
      %lt3A = arith.constant 125 : i32
      %lt3A_135 = arith.cmpi slt, %add3A_134, %lt3A : i32
      %convert_element_type3A = arith.extui %lt3A_135 : i1 to i32
      %cond3A = arith.constant 0 : i32
      %cond3A_136 = arith.cmpi ne, %convert_element_type3A, %cond3A : i32
      scf.if %cond3A_136 {
        %add3A_226 = arith.constant 2 : i32
        %add3A_227 = arith.addi %add3A_110, %add3A_226 : i32
        %add3A_228 = arith.addi %mul3A_4, %add3A_227 : i32
        %dma_start3A_229 = arith.constant 0 : i32
        %dma_start3A_230 = tpu.memref_slice %arg4[%add3A_228, %dma_start3A_229] : memref<4000x80xi32, #tpu.memory_space<hbm>> -> memref<1x80xi32, #tpu.memory_space<hbm>>
        %dma_start3A_231 = arith.constant 0 : i32
        %dma_start3A_232 = tpu.memref_slice %arg4[%add3A_228, %dma_start3A_231] : memref<4000x80xi32, #tpu.memory_space<hbm>> -> memref<1x80xi32, #tpu.memory_space<hbm>>
        tpu.enqueue_dma source(%dma_start3A_232 : memref<1x80xi32, #tpu.memory_space<hbm>>) target(%arg13 : memref<1x80xi32, #tpu.memory_space<vmem>>) target_semaphore(%arg21 : memref<!tpu.dma_semaphore, #tpu.memory_space<semaphore_mem>>)
        %mul3A_233 = arith.constant 80 : i32
        %mul3A_234 = arith.muli %add3A_227, %mul3A_233 : i32
        %add3A_235 = arith.addi %mul3A_2, %mul3A_234 : i32
        %dma_start3A_236 = arith.constant 0 : i32
        %dma_start3A_237 = tpu.memref_slice %arg2[%add3A_235, %dma_start3A_236] : memref<320000x128xf32, #tpu.memory_space<hbm>> -> memref<80x128xf32, #tpu.memory_space<hbm>>
        %dma_start3A_238 = arith.constant 0 : i32
        %dma_start3A_239 = tpu.memref_slice %arg2[%add3A_235, %dma_start3A_238] : memref<320000x128xf32, #tpu.memory_space<hbm>> -> memref<80x128xf32, #tpu.memory_space<hbm>>
        tpu.enqueue_dma source(%dma_start3A_239 : memref<80x128xf32, #tpu.memory_space<hbm>>) target(%arg9 : memref<80x128xf32, #tpu.memory_space<vmem>>) target_semaphore(%arg17 : memref<!tpu.dma_semaphore, #tpu.memory_space<semaphore_mem>>)
      } else {
      }
      %dma_wait3A_137 = arith.constant 0 : i32
      %dma_wait3A_138 = tpu.memref_slice %arg5[%mul3A_4, %dma_wait3A_137] : memref<4000x80xi32, #tpu.memory_space<hbm>> -> memref<1x80xi32, #tpu.memory_space<hbm>>
      %dma_wait3A_139 = arith.constant 0 : i32
      %dma_wait3A_140 = tpu.memref_slice %arg5[%mul3A_4, %dma_wait3A_139] : memref<4000x80xi32, #tpu.memory_space<hbm>> -> memref<1x80xi32, #tpu.memory_space<hbm>>
      tpu.wait_dma2 semaphore(%arg23 : memref<!tpu.dma_semaphore, #tpu.memory_space<semaphore_mem>>) src(%dma_wait3A_140 : memref<1x80xi32, #tpu.memory_space<hbm>>) dst(%arg15 : memref<1x80xi32, #tpu.memory_space<vmem>>)
      %dma_wait3A_141 = arith.constant 0 : i32
      %dma_wait3A_142 = tpu.memref_slice %arg3[%mul3A_2, %dma_wait3A_141] : memref<320000x128xf32, #tpu.memory_space<hbm>> -> memref<80x128xf32, #tpu.memory_space<hbm>>
      %dma_wait3A_143 = arith.constant 0 : i32
      %dma_wait3A_144 = tpu.memref_slice %arg3[%mul3A_2, %dma_wait3A_143] : memref<320000x128xf32, #tpu.memory_space<hbm>> -> memref<80x128xf32, #tpu.memory_space<hbm>>
      tpu.wait_dma2 semaphore(%arg19 : memref<!tpu.dma_semaphore, #tpu.memory_space<semaphore_mem>>) src(%dma_wait3A_144 : memref<80x128xf32, #tpu.memory_space<hbm>>) dst(%arg11 : memref<80x128xf32, #tpu.memory_space<vmem>>)
      %dma_start3A_145 = arith.constant 0 : i32
      %dma_start3A_146 = arith.constant 0 : i32
      %dma_start3A_147 = tpu.memref_slice %arg15[%dma_start3A_145, %dma_start3A_146] : memref<1x80xi32, #tpu.memory_space<vmem>> -> memref<1x80xi32, #tpu.memory_space<vmem>>
      %dma_start3A_148 = tpu.memref_squeeze %dma_start3A_147 : memref<1x80xi32, #tpu.memory_space<vmem>> -> memref<80xi32, #tpu.memory_space<vmem>>
      %dma_start3A_149 = arith.constant 0 : i32
      %dma_start3A_150 = arith.constant 0 : i32
      %dma_start3A_151 = tpu.memref_slice %arg8[%dma_start3A_149, %dma_start3A_150] : memref<10240x128xf32, #tpu.memory_space<vmem_shared>> -> memref<10240x128xf32, #tpu.memory_space<vmem_shared>>
      tpu.enqueue_indirect_dma source(%arg11 : memref<80x128xf32, #tpu.memory_space<vmem>>) target(%dma_start3A_151 : memref<10240x128xf32, #tpu.memory_space<vmem_shared>>) offsets(%dma_start3A_148 : memref<80xi32, #tpu.memory_space<vmem>>) semaphore(%arg27 : memref<!tpu.dma_semaphore, #tpu.memory_space<semaphore_mem>>) {add = true}
      %dma_wait3A_152 = arith.constant 0 : i32
      %dma_wait3A_153 = arith.constant 0 : i32
      %dma_wait3A_154 = tpu.memref_slice %arg15[%dma_wait3A_152, %dma_wait3A_153] : memref<1x80xi32, #tpu.memory_space<vmem>> -> memref<1x80xi32, #tpu.memory_space<vmem>>
      %dma_wait3A_155 = tpu.memref_squeeze %dma_wait3A_154 : memref<1x80xi32, #tpu.memory_space<vmem>> -> memref<80xi32, #tpu.memory_space<vmem>>
      %dma_wait3A_156 = arith.constant 0 : i32
      %dma_wait3A_157 = arith.constant 0 : i32
      %dma_wait3A_158 = tpu.memref_slice %arg8[%dma_wait3A_156, %dma_wait3A_157] : memref<10240x128xf32, #tpu.memory_space<vmem_shared>> -> memref<10240x128xf32, #tpu.memory_space<vmem_shared>>
      tpu.wait_indirect_dma semaphore(%arg27 : memref<!tpu.dma_semaphore, #tpu.memory_space<semaphore_mem>>) src(%arg11 : memref<80x128xf32, #tpu.memory_space<vmem>>) dst(%dma_wait3A_158 : memref<10240x128xf32, #tpu.memory_space<vmem_shared>>)
      %add3A_159 = arith.constant 2 : i32
      %add3A_160 = arith.addi %add3A_110, %add3A_159 : i32
      %lt3A_161 = arith.constant 125 : i32
      %lt3A_162 = arith.cmpi slt, %add3A_160, %lt3A_161 : i32
      %convert_element_type3A_163 = arith.extui %lt3A_162 : i1 to i32
      %cond3A_164 = arith.constant 0 : i32
      %cond3A_165 = arith.cmpi ne, %convert_element_type3A_163, %cond3A_164 : i32
      scf.if %cond3A_165 {
        %add3A_226 = arith.constant 2 : i32
        %add3A_227 = arith.addi %add3A_110, %add3A_226 : i32
        %add3A_228 = arith.addi %mul3A_4, %add3A_227 : i32
        %dma_start3A_229 = arith.constant 0 : i32
        %dma_start3A_230 = tpu.memref_slice %arg5[%add3A_228, %dma_start3A_229] : memref<4000x80xi32, #tpu.memory_space<hbm>> -> memref<1x80xi32, #tpu.memory_space<hbm>>
        %dma_start3A_231 = arith.constant 0 : i32
        %dma_start3A_232 = tpu.memref_slice %arg5[%add3A_228, %dma_start3A_231] : memref<4000x80xi32, #tpu.memory_space<hbm>> -> memref<1x80xi32, #tpu.memory_space<hbm>>
        tpu.enqueue_dma source(%dma_start3A_232 : memref<1x80xi32, #tpu.memory_space<hbm>>) target(%arg15 : memref<1x80xi32, #tpu.memory_space<vmem>>) target_semaphore(%arg23 : memref<!tpu.dma_semaphore, #tpu.memory_space<semaphore_mem>>)
        %mul3A_233 = arith.constant 80 : i32
        %mul3A_234 = arith.muli %add3A_227, %mul3A_233 : i32
        %add3A_235 = arith.addi %mul3A_2, %mul3A_234 : i32
        %dma_start3A_236 = arith.constant 0 : i32
        %dma_start3A_237 = tpu.memref_slice %arg3[%add3A_235, %dma_start3A_236] : memref<320000x128xf32, #tpu.memory_space<hbm>> -> memref<80x128xf32, #tpu.memory_space<hbm>>
        %dma_start3A_238 = arith.constant 0 : i32
        %dma_start3A_239 = tpu.memref_slice %arg3[%add3A_235, %dma_start3A_238] : memref<320000x128xf32, #tpu.memory_space<hbm>> -> memref<80x128xf32, #tpu.memory_space<hbm>>
        tpu.enqueue_dma source(%dma_start3A_239 : memref<80x128xf32, #tpu.memory_space<hbm>>) target(%arg11 : memref<80x128xf32, #tpu.memory_space<vmem>>) target_semaphore(%arg19 : memref<!tpu.dma_semaphore, #tpu.memory_space<semaphore_mem>>)
      } else {
      }
      %add3A_166 = arith.constant 1 : i32
      %add3A_167 = arith.addi %add3A_108, %add3A_166 : i32
      %dma_wait3A_168 = arith.constant 0 : i32
      %dma_wait3A_169 = tpu.memref_slice %arg4[%mul3A_4, %dma_wait3A_168] : memref<4000x80xi32, #tpu.memory_space<hbm>> -> memref<1x80xi32, #tpu.memory_space<hbm>>
      %dma_wait3A_170 = arith.constant 0 : i32
      %dma_wait3A_171 = tpu.memref_slice %arg4[%mul3A_4, %dma_wait3A_170] : memref<4000x80xi32, #tpu.memory_space<hbm>> -> memref<1x80xi32, #tpu.memory_space<hbm>>
      tpu.wait_dma2 semaphore(%arg22 : memref<!tpu.dma_semaphore, #tpu.memory_space<semaphore_mem>>) src(%dma_wait3A_171 : memref<1x80xi32, #tpu.memory_space<hbm>>) dst(%arg14 : memref<1x80xi32, #tpu.memory_space<vmem>>)
      %dma_wait3A_172 = arith.constant 0 : i32
      %dma_wait3A_173 = tpu.memref_slice %arg2[%mul3A_2, %dma_wait3A_172] : memref<320000x128xf32, #tpu.memory_space<hbm>> -> memref<80x128xf32, #tpu.memory_space<hbm>>
      %dma_wait3A_174 = arith.constant 0 : i32
      %dma_wait3A_175 = tpu.memref_slice %arg2[%mul3A_2, %dma_wait3A_174] : memref<320000x128xf32, #tpu.memory_space<hbm>> -> memref<80x128xf32, #tpu.memory_space<hbm>>
      tpu.wait_dma2 semaphore(%arg18 : memref<!tpu.dma_semaphore, #tpu.memory_space<semaphore_mem>>) src(%dma_wait3A_175 : memref<80x128xf32, #tpu.memory_space<hbm>>) dst(%arg10 : memref<80x128xf32, #tpu.memory_space<vmem>>)
      %dma_start3A_176 = arith.constant 0 : i32
      %dma_start3A_177 = arith.constant 0 : i32
      %dma_start3A_178 = tpu.memref_slice %arg14[%dma_start3A_176, %dma_start3A_177] : memref<1x80xi32, #tpu.memory_space<vmem>> -> memref<1x80xi32, #tpu.memory_space<vmem>>
      %dma_start3A_179 = tpu.memref_squeeze %dma_start3A_178 : memref<1x80xi32, #tpu.memory_space<vmem>> -> memref<80xi32, #tpu.memory_space<vmem>>
      %dma_start3A_180 = arith.constant 0 : i32
      %dma_start3A_181 = arith.constant 0 : i32
      %dma_start3A_182 = tpu.memref_slice %arg8[%dma_start3A_180, %dma_start3A_181] : memref<10240x128xf32, #tpu.memory_space<vmem_shared>> -> memref<10240x128xf32, #tpu.memory_space<vmem_shared>>
      tpu.enqueue_indirect_dma source(%arg10 : memref<80x128xf32, #tpu.memory_space<vmem>>) target(%dma_start3A_182 : memref<10240x128xf32, #tpu.memory_space<vmem_shared>>) offsets(%dma_start3A_179 : memref<80xi32, #tpu.memory_space<vmem>>) semaphore(%arg26 : memref<!tpu.dma_semaphore, #tpu.memory_space<semaphore_mem>>) {add = true}
      %dma_wait3A_183 = arith.constant 0 : i32
      %dma_wait3A_184 = arith.constant 0 : i32
      %dma_wait3A_185 = tpu.memref_slice %arg14[%dma_wait3A_183, %dma_wait3A_184] : memref<1x80xi32, #tpu.memory_space<vmem>> -> memref<1x80xi32, #tpu.memory_space<vmem>>
      %dma_wait3A_186 = tpu.memref_squeeze %dma_wait3A_185 : memref<1x80xi32, #tpu.memory_space<vmem>> -> memref<80xi32, #tpu.memory_space<vmem>>
      %dma_wait3A_187 = arith.constant 0 : i32
      %dma_wait3A_188 = arith.constant 0 : i32
      %dma_wait3A_189 = tpu.memref_slice %arg8[%dma_wait3A_187, %dma_wait3A_188] : memref<10240x128xf32, #tpu.memory_space<vmem_shared>> -> memref<10240x128xf32, #tpu.memory_space<vmem_shared>>
      tpu.wait_indirect_dma semaphore(%arg26 : memref<!tpu.dma_semaphore, #tpu.memory_space<semaphore_mem>>) src(%arg10 : memref<80x128xf32, #tpu.memory_space<vmem>>) dst(%dma_wait3A_189 : memref<10240x128xf32, #tpu.memory_space<vmem_shared>>)
      %add3A_190 = arith.constant 2 : i32
      %add3A_191 = arith.addi %add3A_167, %add3A_190 : i32
      %lt3A_192 = arith.constant 125 : i32
      %lt3A_193 = arith.cmpi slt, %add3A_191, %lt3A_192 : i32
      %convert_element_type3A_194 = arith.extui %lt3A_193 : i1 to i32
      %cond3A_195 = arith.constant 0 : i32
      %cond3A_196 = arith.cmpi ne, %convert_element_type3A_194, %cond3A_195 : i32
      scf.if %cond3A_196 {
        %add3A_226 = arith.constant 2 : i32
        %add3A_227 = arith.addi %add3A_167, %add3A_226 : i32
        %add3A_228 = arith.addi %mul3A_4, %add3A_227 : i32
        %dma_start3A_229 = arith.constant 0 : i32
        %dma_start3A_230 = tpu.memref_slice %arg4[%add3A_228, %dma_start3A_229] : memref<4000x80xi32, #tpu.memory_space<hbm>> -> memref<1x80xi32, #tpu.memory_space<hbm>>
        %dma_start3A_231 = arith.constant 0 : i32
        %dma_start3A_232 = tpu.memref_slice %arg4[%add3A_228, %dma_start3A_231] : memref<4000x80xi32, #tpu.memory_space<hbm>> -> memref<1x80xi32, #tpu.memory_space<hbm>>
        tpu.enqueue_dma source(%dma_start3A_232 : memref<1x80xi32, #tpu.memory_space<hbm>>) target(%arg14 : memref<1x80xi32, #tpu.memory_space<vmem>>) target_semaphore(%arg22 : memref<!tpu.dma_semaphore, #tpu.memory_space<semaphore_mem>>)
        %mul3A_233 = arith.constant 80 : i32
        %mul3A_234 = arith.muli %add3A_227, %mul3A_233 : i32
        %add3A_235 = arith.addi %mul3A_2, %mul3A_234 : i32
        %dma_start3A_236 = arith.constant 0 : i32
        %dma_start3A_237 = tpu.memref_slice %arg2[%add3A_235, %dma_start3A_236] : memref<320000x128xf32, #tpu.memory_space<hbm>> -> memref<80x128xf32, #tpu.memory_space<hbm>>
        %dma_start3A_238 = arith.constant 0 : i32
        %dma_start3A_239 = tpu.memref_slice %arg2[%add3A_235, %dma_start3A_238] : memref<320000x128xf32, #tpu.memory_space<hbm>> -> memref<80x128xf32, #tpu.memory_space<hbm>>
        tpu.enqueue_dma source(%dma_start3A_239 : memref<80x128xf32, #tpu.memory_space<hbm>>) target(%arg10 : memref<80x128xf32, #tpu.memory_space<vmem>>) target_semaphore(%arg18 : memref<!tpu.dma_semaphore, #tpu.memory_space<semaphore_mem>>)
      } else {
      }
      %dma_wait3A_197 = arith.constant 0 : i32
      %dma_wait3A_198 = tpu.memref_slice %arg5[%mul3A_4, %dma_wait3A_197] : memref<4000x80xi32, #tpu.memory_space<hbm>> -> memref<1x80xi32, #tpu.memory_space<hbm>>
      %dma_wait3A_199 = arith.constant 0 : i32
      %dma_wait3A_200 = tpu.memref_slice %arg5[%mul3A_4, %dma_wait3A_199] : memref<4000x80xi32, #tpu.memory_space<hbm>> -> memref<1x80xi32, #tpu.memory_space<hbm>>
      tpu.wait_dma2 semaphore(%arg24 : memref<!tpu.dma_semaphore, #tpu.memory_space<semaphore_mem>>) src(%dma_wait3A_200 : memref<1x80xi32, #tpu.memory_space<hbm>>) dst(%arg16 : memref<1x80xi32, #tpu.memory_space<vmem>>)
      %dma_wait3A_201 = arith.constant 0 : i32
      %dma_wait3A_202 = tpu.memref_slice %arg3[%mul3A_2, %dma_wait3A_201] : memref<320000x128xf32, #tpu.memory_space<hbm>> -> memref<80x128xf32, #tpu.memory_space<hbm>>
      %dma_wait3A_203 = arith.constant 0 : i32
      %dma_wait3A_204 = tpu.memref_slice %arg3[%mul3A_2, %dma_wait3A_203] : memref<320000x128xf32, #tpu.memory_space<hbm>> -> memref<80x128xf32, #tpu.memory_space<hbm>>
      tpu.wait_dma2 semaphore(%arg20 : memref<!tpu.dma_semaphore, #tpu.memory_space<semaphore_mem>>) src(%dma_wait3A_204 : memref<80x128xf32, #tpu.memory_space<hbm>>) dst(%arg12 : memref<80x128xf32, #tpu.memory_space<vmem>>)
      %dma_start3A_205 = arith.constant 0 : i32
      %dma_start3A_206 = arith.constant 0 : i32
      %dma_start3A_207 = tpu.memref_slice %arg16[%dma_start3A_205, %dma_start3A_206] : memref<1x80xi32, #tpu.memory_space<vmem>> -> memref<1x80xi32, #tpu.memory_space<vmem>>
      %dma_start3A_208 = tpu.memref_squeeze %dma_start3A_207 : memref<1x80xi32, #tpu.memory_space<vmem>> -> memref<80xi32, #tpu.memory_space<vmem>>
      %dma_start3A_209 = arith.constant 0 : i32
      %dma_start3A_210 = arith.constant 0 : i32
      %dma_start3A_211 = tpu.memref_slice %arg8[%dma_start3A_209, %dma_start3A_210] : memref<10240x128xf32, #tpu.memory_space<vmem_shared>> -> memref<10240x128xf32, #tpu.memory_space<vmem_shared>>
      tpu.enqueue_indirect_dma source(%arg12 : memref<80x128xf32, #tpu.memory_space<vmem>>) target(%dma_start3A_211 : memref<10240x128xf32, #tpu.memory_space<vmem_shared>>) offsets(%dma_start3A_208 : memref<80xi32, #tpu.memory_space<vmem>>) semaphore(%arg28 : memref<!tpu.dma_semaphore, #tpu.memory_space<semaphore_mem>>) {add = true}
      %dma_wait3A_212 = arith.constant 0 : i32
      %dma_wait3A_213 = arith.constant 0 : i32
      %dma_wait3A_214 = tpu.memref_slice %arg16[%dma_wait3A_212, %dma_wait3A_213] : memref<1x80xi32, #tpu.memory_space<vmem>> -> memref<1x80xi32, #tpu.memory_space<vmem>>
      %dma_wait3A_215 = tpu.memref_squeeze %dma_wait3A_214 : memref<1x80xi32, #tpu.memory_space<vmem>> -> memref<80xi32, #tpu.memory_space<vmem>>
      %dma_wait3A_216 = arith.constant 0 : i32
      %dma_wait3A_217 = arith.constant 0 : i32
      %dma_wait3A_218 = tpu.memref_slice %arg8[%dma_wait3A_216, %dma_wait3A_217] : memref<10240x128xf32, #tpu.memory_space<vmem_shared>> -> memref<10240x128xf32, #tpu.memory_space<vmem_shared>>
      tpu.wait_indirect_dma semaphore(%arg28 : memref<!tpu.dma_semaphore, #tpu.memory_space<semaphore_mem>>) src(%arg12 : memref<80x128xf32, #tpu.memory_space<vmem>>) dst(%dma_wait3A_218 : memref<10240x128xf32, #tpu.memory_space<vmem_shared>>)
      %add3A_219 = arith.constant 2 : i32
      %add3A_220 = arith.addi %add3A_167, %add3A_219 : i32
      %lt3A_221 = arith.constant 125 : i32
      %lt3A_222 = arith.cmpi slt, %add3A_220, %lt3A_221 : i32
      %convert_element_type3A_223 = arith.extui %lt3A_222 : i1 to i32
      %cond3A_224 = arith.constant 0 : i32
      %cond3A_225 = arith.cmpi ne, %convert_element_type3A_223, %cond3A_224 : i32
      scf.if %cond3A_225 {
        %add3A_226 = arith.constant 2 : i32
        %add3A_227 = arith.addi %add3A_167, %add3A_226 : i32
        %add3A_228 = arith.addi %mul3A_4, %add3A_227 : i32
        %dma_start3A_229 = arith.constant 0 : i32
        %dma_start3A_230 = tpu.memref_slice %arg5[%add3A_228, %dma_start3A_229] : memref<4000x80xi32, #tpu.memory_space<hbm>> -> memref<1x80xi32, #tpu.memory_space<hbm>>
        %dma_start3A_231 = arith.constant 0 : i32
        %dma_start3A_232 = tpu.memref_slice %arg5[%add3A_228, %dma_start3A_231] : memref<4000x80xi32, #tpu.memory_space<hbm>> -> memref<1x80xi32, #tpu.memory_space<hbm>>
        tpu.enqueue_dma source(%dma_start3A_232 : memref<1x80xi32, #tpu.memory_space<hbm>>) target(%arg16 : memref<1x80xi32, #tpu.memory_space<vmem>>) target_semaphore(%arg24 : memref<!tpu.dma_semaphore, #tpu.memory_space<semaphore_mem>>)
        %mul3A_233 = arith.constant 80 : i32
        %mul3A_234 = arith.muli %add3A_227, %mul3A_233 : i32
        %add3A_235 = arith.addi %mul3A_2, %mul3A_234 : i32
        %dma_start3A_236 = arith.constant 0 : i32
        %dma_start3A_237 = tpu.memref_slice %arg3[%add3A_235, %dma_start3A_236] : memref<320000x128xf32, #tpu.memory_space<hbm>> -> memref<80x128xf32, #tpu.memory_space<hbm>>
        %dma_start3A_238 = arith.constant 0 : i32
        %dma_start3A_239 = tpu.memref_slice %arg3[%add3A_235, %dma_start3A_238] : memref<320000x128xf32, #tpu.memory_space<hbm>> -> memref<80x128xf32, #tpu.memory_space<hbm>>
        tpu.enqueue_dma source(%dma_start3A_239 : memref<80x128xf32, #tpu.memory_space<hbm>>) target(%arg12 : memref<80x128xf32, #tpu.memory_space<vmem>>) target_semaphore(%arg20 : memref<!tpu.dma_semaphore, #tpu.memory_space<semaphore_mem>>)
      } else {
      }
    }
    %scan3A_57 = arith.constant 62 : i32
    %dma_wait3A = arith.constant 0 : i32
    %dma_wait3A_58 = tpu.memref_slice %arg4[%mul3A_4, %dma_wait3A] : memref<4000x80xi32, #tpu.memory_space<hbm>> -> memref<1x80xi32, #tpu.memory_space<hbm>>
    %dma_wait3A_59 = arith.constant 0 : i32
    %dma_wait3A_60 = tpu.memref_slice %arg4[%mul3A_4, %dma_wait3A_59] : memref<4000x80xi32, #tpu.memory_space<hbm>> -> memref<1x80xi32, #tpu.memory_space<hbm>>
    tpu.wait_dma2 semaphore(%arg21 : memref<!tpu.dma_semaphore, #tpu.memory_space<semaphore_mem>>) src(%dma_wait3A_60 : memref<1x80xi32, #tpu.memory_space<hbm>>) dst(%arg13 : memref<1x80xi32, #tpu.memory_space<vmem>>)
    %dma_wait3A_61 = arith.constant 0 : i32
    %dma_wait3A_62 = tpu.memref_slice %arg2[%mul3A_2, %dma_wait3A_61] : memref<320000x128xf32, #tpu.memory_space<hbm>> -> memref<80x128xf32, #tpu.memory_space<hbm>>
    %dma_wait3A_63 = arith.constant 0 : i32
    %dma_wait3A_64 = tpu.memref_slice %arg2[%mul3A_2, %dma_wait3A_63] : memref<320000x128xf32, #tpu.memory_space<hbm>> -> memref<80x128xf32, #tpu.memory_space<hbm>>
    tpu.wait_dma2 semaphore(%arg17 : memref<!tpu.dma_semaphore, #tpu.memory_space<semaphore_mem>>) src(%dma_wait3A_64 : memref<80x128xf32, #tpu.memory_space<hbm>>) dst(%arg9 : memref<80x128xf32, #tpu.memory_space<vmem>>)
    %dma_start3A_65 = arith.constant 0 : i32
    %dma_start3A_66 = arith.constant 0 : i32
    %dma_start3A_67 = tpu.memref_slice %arg13[%dma_start3A_65, %dma_start3A_66] : memref<1x80xi32, #tpu.memory_space<vmem>> -> memref<1x80xi32, #tpu.memory_space<vmem>>
    %dma_start3A_68 = tpu.memref_squeeze %dma_start3A_67 : memref<1x80xi32, #tpu.memory_space<vmem>> -> memref<80xi32, #tpu.memory_space<vmem>>
    %dma_start3A_69 = arith.constant 0 : i32
    %dma_start3A_70 = arith.constant 0 : i32
    %dma_start3A_71 = tpu.memref_slice %arg8[%dma_start3A_69, %dma_start3A_70] : memref<10240x128xf32, #tpu.memory_space<vmem_shared>> -> memref<10240x128xf32, #tpu.memory_space<vmem_shared>>
    tpu.enqueue_indirect_dma source(%arg9 : memref<80x128xf32, #tpu.memory_space<vmem>>) target(%dma_start3A_71 : memref<10240x128xf32, #tpu.memory_space<vmem_shared>>) offsets(%dma_start3A_68 : memref<80xi32, #tpu.memory_space<vmem>>) semaphore(%arg25 : memref<!tpu.dma_semaphore, #tpu.memory_space<semaphore_mem>>) {add = true}
    %dma_wait3A_72 = arith.constant 0 : i32
    %dma_wait3A_73 = arith.constant 0 : i32
    %dma_wait3A_74 = tpu.memref_slice %arg13[%dma_wait3A_72, %dma_wait3A_73] : memref<1x80xi32, #tpu.memory_space<vmem>> -> memref<1x80xi32, #tpu.memory_space<vmem>>
    %dma_wait3A_75 = tpu.memref_squeeze %dma_wait3A_74 : memref<1x80xi32, #tpu.memory_space<vmem>> -> memref<80xi32, #tpu.memory_space<vmem>>
    %dma_wait3A_76 = arith.constant 0 : i32
    %dma_wait3A_77 = arith.constant 0 : i32
    %dma_wait3A_78 = tpu.memref_slice %arg8[%dma_wait3A_76, %dma_wait3A_77] : memref<10240x128xf32, #tpu.memory_space<vmem_shared>> -> memref<10240x128xf32, #tpu.memory_space<vmem_shared>>
    tpu.wait_indirect_dma semaphore(%arg25 : memref<!tpu.dma_semaphore, #tpu.memory_space<semaphore_mem>>) src(%arg9 : memref<80x128xf32, #tpu.memory_space<vmem>>) dst(%dma_wait3A_78 : memref<10240x128xf32, #tpu.memory_space<vmem_shared>>)
    %dma_wait3A_79 = arith.constant 0 : i32
    %dma_wait3A_80 = tpu.memref_slice %arg5[%mul3A_4, %dma_wait3A_79] : memref<4000x80xi32, #tpu.memory_space<hbm>> -> memref<1x80xi32, #tpu.memory_space<hbm>>
    %dma_wait3A_81 = arith.constant 0 : i32
    %dma_wait3A_82 = tpu.memref_slice %arg5[%mul3A_4, %dma_wait3A_81] : memref<4000x80xi32, #tpu.memory_space<hbm>> -> memref<1x80xi32, #tpu.memory_space<hbm>>
    tpu.wait_dma2 semaphore(%arg23 : memref<!tpu.dma_semaphore, #tpu.memory_space<semaphore_mem>>) src(%dma_wait3A_82 : memref<1x80xi32, #tpu.memory_space<hbm>>) dst(%arg15 : memref<1x80xi32, #tpu.memory_space<vmem>>)
    %dma_wait3A_83 = arith.constant 0 : i32
    %dma_wait3A_84 = tpu.memref_slice %arg3[%mul3A_2, %dma_wait3A_83] : memref<320000x128xf32, #tpu.memory_space<hbm>> -> memref<80x128xf32, #tpu.memory_space<hbm>>
    %dma_wait3A_85 = arith.constant 0 : i32
    %dma_wait3A_86 = tpu.memref_slice %arg3[%mul3A_2, %dma_wait3A_85] : memref<320000x128xf32, #tpu.memory_space<hbm>> -> memref<80x128xf32, #tpu.memory_space<hbm>>
    tpu.wait_dma2 semaphore(%arg19 : memref<!tpu.dma_semaphore, #tpu.memory_space<semaphore_mem>>) src(%dma_wait3A_86 : memref<80x128xf32, #tpu.memory_space<hbm>>) dst(%arg11 : memref<80x128xf32, #tpu.memory_space<vmem>>)
    %dma_start3A_87 = arith.constant 0 : i32
    %dma_start3A_88 = arith.constant 0 : i32
    %dma_start3A_89 = tpu.memref_slice %arg15[%dma_start3A_87, %dma_start3A_88] : memref<1x80xi32, #tpu.memory_space<vmem>> -> memref<1x80xi32, #tpu.memory_space<vmem>>
    %dma_start3A_90 = tpu.memref_squeeze %dma_start3A_89 : memref<1x80xi32, #tpu.memory_space<vmem>> -> memref<80xi32, #tpu.memory_space<vmem>>
    %dma_start3A_91 = arith.constant 0 : i32
    %dma_start3A_92 = arith.constant 0 : i32
    %dma_start3A_93 = tpu.memref_slice %arg8[%dma_start3A_91, %dma_start3A_92] : memref<10240x128xf32, #tpu.memory_space<vmem_shared>> -> memref<10240x128xf32, #tpu.memory_space<vmem_shared>>
    tpu.enqueue_indirect_dma source(%arg11 : memref<80x128xf32, #tpu.memory_space<vmem>>) target(%dma_start3A_93 : memref<10240x128xf32, #tpu.memory_space<vmem_shared>>) offsets(%dma_start3A_90 : memref<80xi32, #tpu.memory_space<vmem>>) semaphore(%arg27 : memref<!tpu.dma_semaphore, #tpu.memory_space<semaphore_mem>>) {add = true}
    %dma_wait3A_94 = arith.constant 0 : i32
    %dma_wait3A_95 = arith.constant 0 : i32
    %dma_wait3A_96 = tpu.memref_slice %arg15[%dma_wait3A_94, %dma_wait3A_95] : memref<1x80xi32, #tpu.memory_space<vmem>> -> memref<1x80xi32, #tpu.memory_space<vmem>>
    %dma_wait3A_97 = tpu.memref_squeeze %dma_wait3A_96 : memref<1x80xi32, #tpu.memory_space<vmem>> -> memref<80xi32, #tpu.memory_space<vmem>>
    %dma_wait3A_98 = arith.constant 0 : i32
    %dma_wait3A_99 = arith.constant 0 : i32
    %dma_wait3A_100 = tpu.memref_slice %arg8[%dma_wait3A_98, %dma_wait3A_99] : memref<10240x128xf32, #tpu.memory_space<vmem_shared>> -> memref<10240x128xf32, #tpu.memory_space<vmem_shared>>
    tpu.wait_indirect_dma semaphore(%arg27 : memref<!tpu.dma_semaphore, #tpu.memory_space<semaphore_mem>>) src(%arg11 : memref<80x128xf32, #tpu.memory_space<vmem>>) dst(%dma_wait3A_100 : memref<10240x128xf32, #tpu.memory_space<vmem_shared>>)
    %barrier3A_101 = arith.constant 0 : index
    tpu.barrier barrier_id(%barrier3A_101)
    %mul3A_102 = arith.constant 640 : i32
    %mul3A_103 = arith.muli %arg1, %mul3A_102 : i32
    "tpu.region"() ({
      %run_scoped3A = tpu.sem_alloc : memref<!tpu.dma_semaphore, #tpu.memory_space<semaphore_mem>>
      %dma_start3A_104 = arith.constant 0 : i32
      %dma_start3A_105 = tpu.memref_slice %arg7[%arg0, %mul3A_103, %dma_start3A_104] : memref<2x10240x128xf32, #tpu.memory_space<hbm>> -> memref<1x640x128xf32, #tpu.memory_space<hbm>>
      %dma_start3A_106 = tpu.memref_squeeze %dma_start3A_105 : memref<1x640x128xf32, #tpu.memory_space<hbm>> -> memref<640x128xf32, #tpu.memory_space<hbm>>
      %dma_start3A_107 = arith.constant 0 : i32
      %dma_start3A_108 = tpu.memref_slice %arg8[%mul3A_103, %dma_start3A_107] : memref<10240x128xf32, #tpu.memory_space<vmem_shared>> -> memref<640x128xf32, #tpu.memory_space<vmem_shared>>
      tpu.enqueue_dma source(%dma_start3A_108 : memref<640x128xf32, #tpu.memory_space<vmem_shared>>) target(%dma_start3A_106 : memref<640x128xf32, #tpu.memory_space<hbm>>) target_semaphore(%run_scoped3A : memref<!tpu.dma_semaphore, #tpu.memory_space<semaphore_mem>>)
      %dma_wait3A_109 = arith.constant 0 : i32
      %dma_wait3A_110 = tpu.memref_slice %arg7[%arg0, %mul3A_103, %dma_wait3A_109] : memref<2x10240x128xf32, #tpu.memory_space<hbm>> -> memref<1x640x128xf32, #tpu.memory_space<hbm>>
      %dma_wait3A_111 = tpu.memref_squeeze %dma_wait3A_110 : memref<1x640x128xf32, #tpu.memory_space<hbm>> -> memref<640x128xf32, #tpu.memory_space<hbm>>
      %dma_wait3A_112 = arith.constant 0 : i32
      %dma_wait3A_113 = tpu.memref_slice %arg8[%mul3A_103, %dma_wait3A_112] : memref<10240x128xf32, #tpu.memory_space<vmem_shared>> -> memref<640x128xf32, #tpu.memory_space<vmem_shared>>
      tpu.wait_dma2 semaphore(%run_scoped3A : memref<!tpu.dma_semaphore, #tpu.memory_space<semaphore_mem>>) src(%dma_wait3A_113 : memref<640x128xf32, #tpu.memory_space<vmem_shared>>) dst(%dma_wait3A_111 : memref<640x128xf32, #tpu.memory_space<hbm>>)
      tpu.yield
    }) : () -> ()
    return
  }
}

module attributes {stable_mosaic.version = 14 : i64} {
  func.func @_tc_pool_body(%arg0: i32, %arg1: memref<2x2000x128xf32, #tpu.memory_space<vmem>>, %arg2: memref<2000x128xf32, #tpu.memory_space<vmem>>, %arg3: memref<1x1x2000xi32, #tpu.memory_space<vmem>>, %arg4: memref<128x128xf32, #tpu.memory_space<vmem>>, %arg5: memref<1x128xf32, #tpu.memory_space<vmem>>, %arg6: memref<64x128xf32, #tpu.memory_space<vmem>>, %arg7: memref<64x128xf32, #tpu.memory_space<vmem>>, %arg8: memref<64x128xf32, #tpu.memory_space<vmem>>) attributes {dimension_semantics = [#tpu.dimension_semantics<arbitrary>], iteration_bounds = array<i64: 5>, scalar_prefetch = 0 : i64, scratch_operands = 2 : i64, tpu.core_type = #tpu.core_type<tc>, window_params = [{transform_indices = @transform_0, window_bounds = array<i64: 2, 2000, 128>}, {transform_indices = @transform_1, window_bounds = array<i64: 2000, 128>}, {transform_indices = @transform_2, window_bounds = array<i64: 1, 1, 2000>}, {pipeline_mode = #tpu.pipeline_mode<synchronous>, transform_indices = @transform_3, window_bounds = array<i64: 128, 128>}, {pipeline_mode = #tpu.pipeline_mode<synchronous>, transform_indices = @transform_4, window_bounds = array<i64: 1, 128>}, {pipeline_mode = #tpu.pipeline_mode<synchronous>, transform_indices = @transform_5, window_bounds = array<i64: 64, 128>}]} {
    %eq3A = arith.constant 0 : i32
    %eq3A_0 = arith.cmpi eq, %arg0, %eq3A : i32
    %convert_element_type3A = arith.extui %eq3A_0 : i1 to i32
    %cond3A = arith.constant 0 : i32
    %cond3A_1 = arith.cmpi ne, %convert_element_type3A, %cond3A : i32
    scf.if %cond3A_1 {
      %broadcast_in_dim3A_63 = arith.constant 0.000000e+00 : f32
      %broadcast_in_dim3A_64 = vector.broadcast %broadcast_in_dim3A_63 : f32 to vector<64x128xf32>
      %swap3A_65 = arith.constant 0 : index
      %swap3A_66 = arith.constant 0 : index
      %swap3A_67 = vector.load %arg7[%swap3A_65, %swap3A_66] : memref<64x128xf32, #tpu.memory_space<vmem>>, vector<64x128xf32>
      tpu.vector_store %arg7[%swap3A_65, %swap3A_66], %broadcast_in_dim3A_64 {strides = array<i32>} : memref<64x128xf32, #tpu.memory_space<vmem>>, vector<64x128xf32>,
      %broadcast_in_dim3A_68 = arith.constant 0.000000e+00 : f32
      %broadcast_in_dim3A_69 = vector.broadcast %broadcast_in_dim3A_68 : f32 to vector<64x128xf32>
      %swap3A_70 = arith.constant 0 : index
      %swap3A_71 = arith.constant 0 : index
      %swap3A_72 = vector.load %arg8[%swap3A_70, %swap3A_71] : memref<64x128xf32, #tpu.memory_space<vmem>>, vector<64x128xf32>
      tpu.vector_store %arg8[%swap3A_70, %swap3A_71], %broadcast_in_dim3A_69 {strides = array<i32>} : memref<64x128xf32, #tpu.memory_space<vmem>>, vector<64x128xf32>,
    } else {
    }
    %get3A = arith.constant 0 : index
    %get3A_2 = arith.constant 0 : index
    %get3A_3 = arith.constant 0 : index
    %get3A_4 = vector.load %arg1[%get3A, %get3A_2, %get3A_3] : memref<2x2000x128xf32, #tpu.memory_space<vmem>>, vector<1x2000x128xf32>
    %get3A_5 = vector.shape_cast %get3A_4 : vector<1x2000x128xf32> to vector<2000x128xf32>
    %get3A_6 = arith.constant 1 : index
    %get3A_7 = arith.constant 0 : index
    %get3A_8 = arith.constant 0 : index
    %get3A_9 = vector.load %arg1[%get3A_6, %get3A_7, %get3A_8] : memref<2x2000x128xf32, #tpu.memory_space<vmem>>, vector<1x2000x128xf32>
    %get3A_10 = vector.shape_cast %get3A_9 : vector<1x2000x128xf32> to vector<2000x128xf32>
    %add3A = arith.addf %get3A_5, %get3A_10 : vector<2000x128xf32>
    %get3A_11 = arith.constant 0 : index
    %get3A_12 = arith.constant 0 : index
    %get3A_13 = vector.load %arg2[%get3A_11, %get3A_12] : memref<2000x128xf32, #tpu.memory_space<vmem>>, vector<2000x128xf32>
    %add3A_14 = arith.addf %add3A, %get3A_13 : vector<2000x128xf32>
    %get3A_15 = arith.constant 0 : index
    %get3A_16 = arith.constant 0 : index
    %get3A_17 = vector.load %arg4[%get3A_15, %get3A_16] : memref<128x128xf32, #tpu.memory_space<vmem>>, vector<128x128xf32>
    %dot_general3A = arith.constant dense<0.000000e+00> : vector<2000x128xf32>
    %dot_general3A_18 = tpu.matmul %add3A_14, %get3A_17, %dot_general3A {dimension_numbers = #tpu.dot_dimension_numbers<[1], [0], [0], [1], [0, 0, 1, 1], [], []>, transpose_lhs_hint = false} : vector<2000x128xf32>, vector<128x128xf32>, vector<2000x128xf32> -> vector<2000x128xf32>
    %get3A_19 = arith.constant 0 : index
    %get3A_20 = arith.constant 0 : index
    %get3A_21 = vector.load %arg5[%get3A_19, %get3A_20] : memref<1x128xf32, #tpu.memory_space<vmem>>, vector<1x128xf32>
    %add3A_22 = vector.broadcast %get3A_21 : vector<1x128xf32> to vector<2000x128xf32>
    %add3A_23 = arith.addf %dot_general3A_18, %add3A_22 : vector<2000x128xf32>
    %gt3A = arith.constant 0.000000e+00 : f32
    %gt3A_24 = vector.broadcast %gt3A : f32 to vector<2000x128xf32>
    %gt3A_25 = arith.cmpf ogt, %add3A_23, %gt3A_24 : vector<2000x128xf32>
    %min3A = arith.constant 0.000000e+00 : f32
    %min3A_26 = vector.broadcast %min3A : f32 to vector<2000x128xf32>
    %min3A_27 = arith.minimumf %add3A_23, %min3A_26 : vector<2000x128xf32>
    %exp3A = math.exp %min3A_27 : vector<2000x128xf32>
    %sub3A = arith.constant 1.000000e+00 : f32
    %sub3A_28 = vector.broadcast %sub3A : f32 to vector<2000x128xf32>
    %sub3A_29 = arith.subf %exp3A, %sub3A_28 : vector<2000x128xf32>
    %select_n3A = arith.select %gt3A_25, %add3A_23, %sub3A_29 : vector<2000x128xi1>, vector<2000x128xf32>
    %get3A_30 = arith.constant 0 : index
    %get3A_31 = arith.constant 0 : index
    %get3A_32 = arith.constant 0 : index
    %get3A_33 = vector.load %arg3[%get3A_30, %get3A_31, %get3A_32] : memref<1x1x2000xi32, #tpu.memory_space<vmem>>, vector<1x1x2000xi32>
    %get3A_34 = vector.shape_cast %get3A_33 : vector<1x1x2000xi32> to vector<2000xi32>
    %iota3A = tpu.iota {dimensions = array<i32: 0>} : vector<64x2000xi32>
    %broadcast_in_dim3A = vector.shape_cast %get3A_34 : vector<2000xi32> to vector<1x2000xi32>
    %eq3A_35 = vector.broadcast %broadcast_in_dim3A : vector<1x2000xi32> to vector<64x2000xi32>
    %eq3A_36 = arith.cmpi eq, %eq3A_35, %iota3A : vector<64x2000xi32>
    %convert_element_type3A_37 = arith.extui %eq3A_36 : vector<64x2000xi1> to vector<64x2000xi32>
    %convert_element_type3A_38 = arith.sitofp %convert_element_type3A_37 : vector<64x2000xi32> to vector<64x2000xf32>
    %get3A_39 = arith.constant 0 : index
    %get3A_40 = arith.constant 0 : index
    %get3A_41 = vector.load %arg7[%get3A_39, %get3A_40] : memref<64x128xf32, #tpu.memory_space<vmem>>, vector<64x128xf32>
    %dot_general3A_42 = arith.constant dense<0.000000e+00> : vector<64x128xf32>
    %dot_general3A_43 = tpu.matmul %convert_element_type3A_38, %select_n3A, %dot_general3A_42 {dimension_numbers = #tpu.dot_dimension_numbers<[1], [0], [0], [1], [0, 0, 1, 1], [], []>, transpose_lhs_hint = false} : vector<64x2000xf32>, vector<2000x128xf32>, vector<64x128xf32> -> vector<64x128xf32>
    %add3A_44 = arith.addf %get3A_41, %dot_general3A_43 : vector<64x128xf32>
    %swap3A = arith.constant 0 : index
    %swap3A_45 = arith.constant 0 : index
    %swap3A_46 = vector.load %arg7[%swap3A, %swap3A_45] : memref<64x128xf32, #tpu.memory_space<vmem>>, vector<64x128xf32>
    tpu.vector_store %arg7[%swap3A, %swap3A_45], %add3A_44 {strides = array<i32>} : memref<64x128xf32, #tpu.memory_space<vmem>>, vector<64x128xf32>,
    %get3A_47 = arith.constant 0 : index
    %get3A_48 = arith.constant 0 : index
    %get3A_49 = vector.load %arg8[%get3A_47, %get3A_48] : memref<64x128xf32, #tpu.memory_space<vmem>>, vector<64x128xf32>
    %reduce_sum3A = arith.constant dense<0.000000e+00> : vector<64xf32>
    %reduce_sum3A_50 = vector.multi_reduction <add>, %convert_element_type3A_38, %reduce_sum3A [1] : vector<64x2000xf32> to vector<64xf32>
    %broadcast_in_dim3A_51 = vector.shape_cast %reduce_sum3A_50 : vector<64xf32> to vector<64x1xf32>
    %broadcast_in_dim3A_52 = vector.shape_cast %broadcast_in_dim3A_51 : vector<64x1xf32> to vector<64x1xf32>
    %broadcast_in_dim3A_53 = vector.broadcast %broadcast_in_dim3A_52 : vector<64x1xf32> to vector<64x128xf32>
    %add3A_54 = arith.addf %get3A_49, %broadcast_in_dim3A_53 : vector<64x128xf32>
    %swap3A_55 = arith.constant 0 : index
    %swap3A_56 = arith.constant 0 : index
    %swap3A_57 = vector.load %arg8[%swap3A_55, %swap3A_56] : memref<64x128xf32, #tpu.memory_space<vmem>>, vector<64x128xf32>
    tpu.vector_store %arg8[%swap3A_55, %swap3A_56], %add3A_54 {strides = array<i32>} : memref<64x128xf32, #tpu.memory_space<vmem>>, vector<64x128xf32>,
    %eq3A_58 = arith.constant 4 : i32
    %eq3A_59 = arith.cmpi eq, %arg0, %eq3A_58 : i32
    %convert_element_type3A_60 = arith.extui %eq3A_59 : i1 to i32
    %cond3A_61 = arith.constant 0 : i32
    %cond3A_62 = arith.cmpi ne, %convert_element_type3A_60, %cond3A_61 : i32
    scf.if %cond3A_62 {
      %get3A_63 = arith.constant 0 : index
      %get3A_64 = arith.constant 0 : index
      %get3A_65 = vector.load %arg7[%get3A_63, %get3A_64] : memref<64x128xf32, #tpu.memory_space<vmem>>, vector<64x128xf32>
      %get3A_66 = arith.constant 0 : index
      %get3A_67 = arith.constant 0 : index
      %get3A_68 = vector.load %arg8[%get3A_66, %get3A_67] : memref<64x128xf32, #tpu.memory_space<vmem>>, vector<64x128xf32>
      %max3A = arith.constant 1.000000e+00 : f32
      %max3A_69 = vector.broadcast %max3A : f32 to vector<64x128xf32>
      %max3A_70 = arith.maximumf %get3A_68, %max3A_69 : vector<64x128xf32>
      %div3A = arith.divf %get3A_65, %max3A_70 : vector<64x128xf32>
      %swap3A_71 = arith.constant 0 : index
      %swap3A_72 = arith.constant 0 : index
      %swap3A_73 = vector.load %arg6[%swap3A_71, %swap3A_72] : memref<64x128xf32, #tpu.memory_space<vmem>>, vector<64x128xf32>
      tpu.vector_store %arg6[%swap3A_71, %swap3A_72], %div3A {strides = array<i32>} : memref<64x128xf32, #tpu.memory_space<vmem>>, vector<64x128xf32>,
    } else {
    }
    return
  }
  func.func @transform_0(%arg0: i32) -> (i32, i32, i32) {
    %c0_i32 = arith.constant 0 : i32
    %c0_i32_0 = arith.constant 0 : i32
    %c0_i32_1 = arith.constant 0 : i32
    return %c0_i32, %arg0, %c0_i32_0 : i32, i32, i32
  }
  func.func @transform_1(%arg0: i32) -> (i32, i32) {
    %c0_i32 = arith.constant 0 : i32
    %c0_i32_0 = arith.constant 0 : i32
    return %arg0, %c0_i32 : i32, i32
  }
  func.func @transform_2(%arg0: i32) -> (i32, i32, i32) {
    %c0_i32 = arith.constant 0 : i32
    %c0_i32_0 = arith.constant 0 : i32
    %c0_i32_1 = arith.constant 0 : i32
    return %arg0, %c0_i32, %c0_i32_0 : i32, i32, i32
  }
  func.func @transform_3(%arg0: i32) -> (i32, i32) {
    %c0_i32 = arith.constant 0 : i32
    %c0_i32_0 = arith.constant 0 : i32
    %c0_i32_1 = arith.constant 0 : i32
    return %c0_i32, %c0_i32_0 : i32, i32
  }
  func.func @transform_4(%arg0: i32) -> (i32, i32) {
    %c0_i32 = arith.constant 0 : i32
    %c0_i32_0 = arith.constant 0 : i32
    %c0_i32_1 = arith.constant 0 : i32
    return %c0_i32, %c0_i32_0 : i32, i32
  }
  func.func @transform_5(%arg0: i32) -> (i32, i32) {
    %c0_i32 = arith.constant 0 : i32
    %c0_i32_0 = arith.constant 0 : i32
    %c0_i32_1 = arith.constant 0 : i32
    return %c0_i32, %c0_i32_0 : i32, i32
  }
}

</mosaic_0001>

<sc_bundles>
// kernel: kernel.4.cloned.1.call-start
scs
__scs_entry_jumppad:
0x0: {  	(pc) =	sbr.rel $0x88, $3  }
0x1: {  	(tag) =	ssettag $0x0;
	lr =	simm.s32 $0x1  }
0x2: {  	[smem:$0x3F99] =	sst lr;
	_ =	strace $0xD0000000  }
0x3: {  	_ = 	snop  }
0x4: {  	_ = 	snop  }
0x5: {  	_ = 	snop  }
0x6: {  	_ = 	snop  }
0x7: {  	_ = 	snop  }
__scs_overlays_trampoline_lowered:
0x8: {  	[smem:$0x3FA8] =	sst s0  }
0x9: {  	[smem:$0x3FA9] =	sst s1  }
0xa: {  	[smem:$0x3FAA] =	sst s2  }
0xb: {  	[smem:$0x3FAB] =	sst s3  }
0xc: {  	[smem:$0x3FAC] =	sst s4  }
0xd: {  	[smem:$0x3FAD] =	sst s5  }
0xe: {  	[smem:$0x3FAE] =	sst s6  }
0xf: {  	[smem:$0x3FAF] =	sst s7  }
0x10: {  	[smem:$0x3FB0] =	sst s8  }
0x11: {  	[smem:$0x3FB1] =	sst s9;
	s0 =	simm.s32 @!p0 $0x0  }
0x12: {  	s1 =	sld [smem:$0x3F97];
	s0 =	simm.s32 @p0 $0x1  }
0x13: {  	[smem:$0x3FB2] =	sst s0;
	s0 =	simm.s32 @!p1 $0x0  }
0x14: {  	s2 =	sld [smem:$0x3F96];
	s0 =	simm.s32 @p1 $0x1  }
0x15: {  	[smem:$0x3FB3] =	sst s0;
	s0 =	simm.s32 @!p2 $0x0  }
0x16: {  	s3 =	sld [smem:$0x3FDB];
	s0 =	simm.s32 @p2 $0x1  }
0x17: {  	s4 =	simm.s32 $0x1BF5;
	[smem:$0x3FB5] =	sst s0  }
0x18: {  	s0 =	sld [smem:$0x3F98];
	_ =	swait.ge [sflag:s4], $0x0  }
0x19: {  	s7 =	sld [smem:$0x3F99]  }
0x1a: {  	s8 =	sadd.s32 $0xFFFFE003, lr  }
0x1b: {  	s9 =	sadd.s32 $0xFFFFFEF7, lr;
	s5 =	simm.s32 $0xFFFFFFFF;
	p2 =	slt.u32 s8, $0xFFFFF086  }
0x1c: {  	p1 =	slt.u32 s9, $0xF7A;
	s5 =	simm.s32 @!p2 $0x0  }
0x1d: {  	s5 =	simm.s32 @p1 $0x1;
	p0 =	seq.s32 s7, s2  }
0x1e: {  	s7 =	smul.u32 @!p0 $0xF7A, s2;
	p2 =	seq.s32 @!p0 s5, $0x0  }
0x1f: {  	s9 =	smul.u32 $0xF7A, s1;
	s8 =	simm.s32 @!p0 $0x1BF5;
	p2 =	por !p2, p0  }
0x20: {  	[sflag:s8] =	ssyncset.s32 @!p0 $0xFFFFF086;
	s6 =	sadd.s32 @!p0 s3, s7;
	s7 =	simm.s32 @!p0 $0x108  }
0x21: {  	s3 =	sadd.s32 s3, s9;
	s6 =	sadd.s32 @!p0 $0x88, s6;
	s7 =	simm.s32 @p2 $0x1082  }
0x22: {  	[simem:s7], [sflag:s8] =	dma.local @!p0 [hbm:s6], $0xF7A  }
0x23: {  	s9 =	sor.u32 $0xD0000000, s2;
	s6 =	simm.s32 $0x108;
	_ =	swait.ge @!p0 [sflag:s8], $0x0  }
0x24: {  	s3 =	sadd.s32 $0x88, s3;
	s6 =	simm.s32 @!p1 $0x1082;
	[sflag:s4] =	ssyncset.s32 $0xFFFFF086  }
0x25: {  	[simem:s6], [sflag:s4] =	dma.local [hbm:s3], $0xF7A  }
0x26: {  	[smem:$0x3F99] =	sst s1;
	(tag) =	ssettag s2;
	_ =	strace s9  }
0x27: {  	s1 =	sld [smem:$0x3FA9]  }
0x28: {  	s2 =	sld [smem:$0x3FAA]  }
0x29: {  	s4 =	sld [smem:$0x3FAC]  }
0x2a: {  	p0 =	seq.s32 s5, $0x0;
	s5 =	sld [smem:$0x3FAD]  }
0x2b: {  	s6 =	sld [smem:$0x3FAE]  }
0x2c: {  	s7 =	sld [smem:$0x3FAF]  }
0x2d: {  	s3 =	simm.s32 $0x108;
	s8 =	sld [smem:$0x3FB0]  }
0x2e: {  	s3 =	simm.s32 @!p0 $0x1082;
	s9 =	sld [smem:$0x3FB1]  }
0x2f: {  	lr =	sadd.s32 s0, s3;
	s0 =	sld [smem:$0x3FA8]  }
0x30: {  	s3 =	sld [smem:$0x3FAB]  }
0x31: {  	[smem:$0x3FB4] =	sst s10  }
0x32: {  	s10 =	sld [smem:$0x3FB2];
	_ =	sdelay $0x3  }
0x33: {  	p0 =	seq.s32 s10, $0x1;
	s10 =	sld [smem:$0x3FB4];
	_ =	sdelay $0x3  }
0x34: {  	[smem:$0x3FB4] =	sst s10  }
0x35: {  	s10 =	sld [smem:$0x3FB3];
	_ =	sdelay $0x3  }
0x36: {  	p1 =	seq.s32 s10, $0x1;
	s10 =	sld [smem:$0x3FB4];
	_ =	sdelay $0x3  }
0x37: {  	[smem:$0x3FB4] =	sst s10  }
0x38: {  	s10 =	sld [smem:$0x3FB5]  }
0x39: {  	_ = 	snop;
	(pc) =	sbr.ind lr, $3  }
0x3a: {  	_ = 	snop  }
0x3b: {  	_ = 	snop  }
0x3c: {  	p2 =	seq.s32 s10, $0x1;
	s10 =	sld [smem:$0x3FB4]  }
0x3d: {  	_ =	shalt  }
0x3e: {  	_ =	shalt  }
0x3f: {  	_ =	shalt  }
0x40: {  	_ =	shalt  }
0x41: {  	_ =	shalt  }
0x42: {  	_ =	shalt  }
0x43: {  	_ =	shalt  }
0x44: {  	_ =	shalt  }
0x45: {  	_ =	shalt  }
0x46: {  	_ =	shalt  }
0x47: {  	_ =	shalt  }
0x48: {  	_ =	shalt  }
0x49: {  	_ =	shalt  }
0x4a: {  	_ =	shalt  }
0x4b: {  	_ =	shalt  }
0x4c: {  	_ =	shalt  }
0x4d: {  	_ =	shalt  }
0x4e: {  	_ =	shalt  }
0x4f: {  	_ =	shalt  }
0x50: {  	_ =	shalt  }
0x51: {  	_ =	shalt  }
0x52: {  	_ =	shalt  }
0x53: {  	_ =	shalt  }
0x54: {  	_ =	shalt  }
0x55: {  	_ =	shalt  }
0x56: {  	_ =	shalt  }
0x57: {  	_ =	shalt  }
0x58: {  	_ =	shalt  }
0x59: {  	_ =	shalt  }
0x5a: {  	_ =	shalt  }
0x5b: {  	_ =	shalt  }
0x5c: {  	_ =	shalt  }
0x5d: {  	_ =	shalt  }
0x5e: {  	_ =	shalt  }
0x5f: {  	_ =	shalt  }
0x60: {  	_ =	shalt  }
0x61: {  	_ =	shalt  }
0x62: {  	_ =	shalt  }
0x63: {  	_ =	shalt  }
0x64: {  	_ =	shalt  }
0x65: {  	_ =	shalt  }
0x66: {  	_ =	shalt  }
0x67: {  	_ =	shalt  }
0x68: {  	_ =	shalt  }
0x69: {  	_ =	shalt  }
0x6a: {  	_ =	shalt  }
0x6b: {  	_ =	shalt  }
0x6c: {  	_ =	shalt  }
0x6d: {  	_ =	shalt  }
0x6e: {  	_ =	shalt  }
0x6f: {  	_ =	shalt  }
0x70: {  	_ =	shalt  }
0x71: {  	_ =	shalt  }
0x72: {  	_ =	shalt  }
0x73: {  	_ =	shalt  }
0x74: {  	_ =	shalt  }
0x75: {  	_ =	shalt  }
0x76: {  	_ =	shalt  }
0x77: {  	_ =	shalt  }
0x78: {  	_ =	shalt  }
0x79: {  	_ =	shalt  }
0x7a: {  	_ =	shalt  }
0x7b: {  	_ =	shalt  }
0x7c: {  	_ =	shalt  }
0x7d: {  	_ =	shalt  }
0x7e: {  	_ =	shalt  }
0x7f: {  	_ =	shalt  }
0x80: {  	_ =	shalt  }
0x81: {  	_ =	shalt  }
0x82: {  	_ =	shalt  }
0x83: {  	_ =	shalt  }
0x84: {  	_ =	shalt  }
0x85: {  	_ =	shalt  }
0x86: {  	_ =	shalt  }
0x87: {  	_ =	shalt  }
.Lfunc_end0:
.L_simem_size_0:
called_computation_lowered:
.L_overlay_start_0:
0x88: {  	s2 =	sld [smem:$0x3FD9]  }
0x89: {  	s3 =	sld [smem:$0x3FFE];
	_ =	sdelay $0x1  }
0x8a: {  	s1 =	srdreg.scid  }
0x8b: {  	s0 =	sand.u32 $0x1, s1  }
0x8c: {  	s17 =	sshll.u32 s0, $0xA;
	s2 =	sadd.s32 s3, s2  }
0x8d: {  	s2 =	sadd.s32 s2, s17  }
0x8e: {  	[smem:$0x3FC0] =	sst s2  }
0x8f: {  	_ = 	snop  }
0x90: {  	s2 =	sld [smem:$0x3FC8]  }
0x91: {  	s18 =	sld [smem:$0x3FC7];
	(tm) =	ssettm $0x1  }
0x92: {  	s4 =	sld [smem:$0x3FFB];
	_ =	sdelay $0x3  }
0x93: {  	_ =	strace s4  }
0x94: {  	s4 =	sld [smem:$0x3FFC];
	_ =	sdelay $0x3  }
0x95: {  	_ =	strace s4  }
0x96: {  	s4 =	sld [smem:$0x3FFD];
	_ =	sdelay $0x3  }
0x97: {  	_ =	strace s4  }
0x98: {  	_ =	strace $0x8FFFFFFF  }
0x99: {  	s19 =	sld [smem:$0x3FDB];
	_ =	sdelay $0x1  }
0x9a: {  	s5 =	simm.s32 $_scs_section_size  }
0x9b: {  	s6 =	simm.s32 $_size__tile_overlayer_lowered;
	s7 =	simm.s32 $_tile_overlayer_lowered  }
0x9c: {  	s22 =	simm.s32 $0x1BFF;
	s21 =	sshll.u32 s7, $0x1;
	s4 =	sadd.s32 s5, s19  }
0x9d: {  	s8 =	simm.s32 $0x0;
	s20 =	sshll.u32 s6, $0x1;
	s6 =	sadd.s32 s21, s4  }
0x9e: {  	[timem:s8], [sflag:s22] =	dma.local [hbm:s6], s20  }
0x9f: {  	_ =	swait.ge [sflag:s22], s20  }
0xa0: {  	s5 =	ssub.s32 $0x0, s20;
	[sflag:s22] =	ssyncset.done $0x0  }
0xa1: {  	[sflag:s22] =	ssyncadd.s32 s5;
	_ =	sdelay $0x1  }
0xa2: {  	s23 =	simm.s32 $0x1B8B  }
0xa3: {  	_ =	swait.ge [sflag:s23], $0x1  }
0xa4: {  	[sflag:s23] =	ssyncset.done $0x0  }
0xa5: {  	s25 =	simm.s32 $0x1B8E;
	s24 =	sld [smem:$0x3FFE];
	[sflag:s23] =	ssyncadd.s32 $0xFFFFFFFF  }
0xa6: {  	s26 =	simm.s32 $execute0_lowered;
	[smem:$0x3FD2] =	sst s25  }
0xa7: {  	s6 =	sshll.u32 s26, $0x1;
	_ =	strace $0x80000046;
	[dreg:$0x1] =	wrdreg $0xFFFFFFFF  }
0xa8: {  	s28 =	simm.s32 $_size_execute0_lowered;
	s4 =	sadd.s32 s4, s6;
	[dreg:$0x0] =	wrdreg $0x0  }
0xa9: {  	s6 =	sshll.u32 s28, $0x1;
	[dreg:$0x2] =	wrdreg s4  }
0xaa: {  	[dreg:$0x3] =	wrdreg s6  }
0xab: {  	[dreg:$0x4] =	wrdreg $0xC0  }
0xac: {  	_ =	task [dreg:s8], $0x5FFFF  }
0xad: {  	[dreg:$0x1] =	wrdreg $0xFFFFFFFF  }
0xae: {  	[dreg:$0x0] =	wrdreg $0x60  }
0xaf: {  	[dreg:$0x2] =	wrdreg s2  }
0xb0: {  	[dreg:$0x3] =	wrdreg s18  }
0xb1: {  	[dreg:$0x4] =	wrdreg s24  }
0xb2: {  	[dreg:$0x5] =	wrdreg $0x0  }
0xb3: {  	[dreg:$0x6] =	wrdreg $0x9  }
0xb4: {  	_ =	task.clear_ibuf [dreg:s8], $0x7FFFF;
	_ =	strace $0x90000046  }
0xb5: {  	s29 =	simm.s32 $0x9;
	_ =	strace $0x80000048  }
0xb6: {  	_ =	swait.ge [sflag:s29], $0x1  }
0xb7: {  	[sflag:s29] =	ssyncadd.s32 $0xFFFFFFFF  }
0xb8: {  	_ =	strace $0x90000048  }
0xb9: {  	_ =	sfence  }
0xba: {  	s30 =	sld [smem:$0x0];
	_ =	sdelay $0x2  }
0xbb: {  	s31 =	sshll.u32 s1, $0xD;
	s1 =	sshrl.u32 s1, $0x2  }
0xbc: {  	s3 =	sand.u32 $0x4000, s31;
	s1 =	sadd.s32 s1, s30  }
0xbd: {  	s0 =	sor.u32 s3, s0;
	s1 =	sshll.u32 s1, $0x11  }
0xbe: {  	s0 =	sor.u32 s1, s0  }
0xbf: {  	s0 =	sadd.s32 $0x8F2B, s0  }
0xc0: {  	[sflag:s0] =	ssyncadd.remote.s32 $0x1  }
0xc1: {  	_ =	sfence.sel $0xFFFF  }
0xc2: {  	[dreg:$0x0] =	wrdreg $0xFFFFFFFF;
	(pc) =	sbr.abs _section_cstart, $3  }
0xc3: {  	[dreg:$0x1] =	wrdreg $0xFFFFFFFF  }
0xc4: {  	_ =	task.clear_ibuf [dreg:s8], $0x2FFFF;
	_ =	strace $0x9FFFFFFF  }
0xc5: {  	(tm) =	ssettm $0x7FFFFFFF  }
tec
execute0_lowered:
.L_overlay_start_1:
0x0: {  	(tag) =	ssettag $0x1  }
0x1: {  	s0 =	rddreg [dreg:$0x0]  }
0x2: {  	s1 =	rddreg [dreg:$0x1]  }
0x3: {  	s4 =	rddreg [dreg:$0x2]  }
0x4: {  	s2 =	rddreg [dreg:$0x3];
	s15 =	stileid.u32  }
0x5: {  	s3 =	srdreg.scid;
	s28 =	simm.s32 $0x19000;
	s8 =	smul.u32 $0x14000, s15  }
0x6: {  	s29 =	simm.s32 $0x1E080;
	s30 =	simm.s32 $0x16800;
	s25 =	smul.u32 $0x50000, s15  }
0x7: {  	s31 =	simm.s32 $0x1E180;
	s5 =	sand.u32 $0x1, s3;
	s16 =	smul.u32 $0x7D, s15  }
0x8: {  	s3 =	simm.s32 $0x0;
	s11 =	sadd.s32 $0x600, s4;
	s6 =	smul.u32 $0x140000, s5  }
0x9: {  	s12 =	sadd.s32 $0x10000, s4;
	s7 =	sshll.u32 s5, $0x4;
	s26 =	smul.u32 $0x7D0, s5  }
0xa: {  	s19 =	ssub.s32 $0x2, s5;
	s5 =	smul.u32 $0x271000, s5;
	s7 =	sor.u32 s15, s7  }
0xb: {  	s13 =	sadd.s32 $0x1FA00, s4;
	[smem:$0x7FF] =	sst s3;
	s9 =	smul.u32 $0x3E80, s7  }
0xc: {  	_ =	strace $0x80000047;
	[dreg:$0x5] =	wrdreg s13;
	s10 =	smul.u32 $0x280, s7  }
0xd: {  	s20 =	sshrl.u32 s19, $0x1;
	s6 =	sadd.s32 s8, s6;
	s14 =	smul.u32 $0x27100, s7  }
0xe: {  	s13 =	simm.s32 $0xA;
	s7 =	smul.u32 $0x138800, s7;
	s6 =	sshrl.u32 s6, $0x3  }
0xf: {  	s18 =	sand.u32 $0x7FC00, s9;
	s10 =	sand.u32 $0x380, s10;
	s4 =	sadd.s32 s6, s4  }
0x10: {  	s6 =	ssub.s32 s19, s20;
	s22 =	sadd.s32 s0, s14;
	s23 =	sadd.s32 s1, s14  }
0x11: {  	s24 =	sshrl.u32 s9, $0x3;
	s7 =	sshrl.u32 s7, $0x3;
	s19 =	sshll.u32 s15, $0x6  }
0x12: {  	s20 =	sadd.s32 s16, s26;
	s9 =	simm.s32 $0x3;
	[dreg:$0x7] =	wrdreg s22  }
0x13: {  	s16 =	simm.s32 $0x4;
	s8 =	sor.u32 s10, s18;
	[dreg:$0x9] =	wrdreg s23  }
0x14: {  	s7 =	sadd.s32 $0x500, s7;
	s18 =	sshrl.u32 s25, $0x2;
	s4 =	sadd.s32 $0x22200, s4  }
0x15: {  	s22 =	smax.u32 s6, $0x1;
	s6 =	simm.s32 $0x50;
	[dreg:$0x10] =	wrdreg s4  }
0x16: {  	s10 =	simm.s32 $0xB;
	s17 =	sadd.s32 s0, s7;
	[dreg:$0x11] =	wrdreg s22  }
0x17: {  	s8 =	sshrl.u32 s8, $0x3;
	s7 =	sadd.s32 s1, s7;
	[dreg:$0xb] =	wrdreg s17  }
0x18: {  	s1 =	sadd.s32 s5, s1;
	s0 =	sadd.s32 s5, s0;
	[dreg:$0xd] =	wrdreg s7  }
0x19: {  	s5 =	simm.s32 $0x1;
	s21 =	sadd.s32 s11, s8;
	[dreg:$0x14] =	wrdreg s1  }
0x1a: {  	s8 =	sadd.s32 s12, s8;
	s7 =	sadd.s32 s18, s2;
	[dreg:$0x15] =	wrdreg s0  }
0x1b: {  	s0 =	simm.s32 $0x1B800;
	s17 =	simm.s32 $0xD;
	[dreg:$0x6] =	wrdreg s21  }
0x1c: {  	s18 =	simm.s32 $0x0;
	[dreg:$0x8] =	wrdreg s8;
	s8 =	sadd.s32 $0x10, s24  }
0x1d: {  	[dreg:$0xe] =	wrdreg s7;
	s21 =	sshll.u32 s20, $0x4;
	s7 =	simm.s32 $0x9  }
0x1e: {  	s20 =	simm.s32 $0xC;
	s14 =	sadd.s32 s11, s8;
	s8 =	sadd.s32 s12, s8  }
0x1f: {  	s23 =	sadd.s32 s21, s11;
	s24 =	sadd.s32 s21, s12;
	[dreg:$0xa] =	wrdreg s14  }
0x20: {  	s25 =	sadd.s32 $0x30, s21;
	[dreg:$0xc] =	wrdreg s8;
	s14 =	sor.u32 $0x1C0D, s19  }
0x21: {  	s4 =	sadd.s32 $0x20, s23;
	s19 =	smul.u32 $0x27100, s15;
	s26 =	sadd.s32 s25, s11  }
.Ltmp0:
0x22: {  	s23 =	sadd.s32 s25, s12;
	s25 =	simm.s32 $0x14000;
	(pc) =	sbr.rel .LBB2_1-.Ltmp0, $4  }
0x23: {  	s8 =	simm.s32 $0x7;
	s11 =	simm.s32 $0x6;
	[dreg:$0x12] =	wrdreg s4  }
0x24: {  	s12 =	simm.s32 $0x2;
	s15 =	simm.s32 $0x8;
	[dreg:$0x16] =	wrdreg s26  }
0x25: {  	s4 =	sadd.s32 $0x20, s24;
	s24 =	simm.s32 $0x1E000;
	[dreg:$0xf] =	wrdreg s14  }
0x26: {  	s26 =	simm.s32 $0x1E100;
	[dreg:$0x13] =	wrdreg s4;
	s4 =	simm.s32 $0x5  }
.LBB2_4:
0x27: {  	_ =	swait.ge [sflag:s15], $0x80  }
0x28: {  	[sflag:s15] =	ssyncset.done $0x0  }
0x29: {  	[sflag:s15] =	ssyncadd.s32 $0xFFFFFF80  }
0x2a: {  	_ =	swait.ge [sflag:s16], $0x2800  }
0x2b: {  	[sflag:s16] =	ssyncset.done $0x0  }
0x2c: {  	[sflag:s16] =	ssyncadd.s32 $0xFFFFD800  }
0x2d: {  	[spmem:s2] =	stream.indirect.scatter.add.f32 [tilespmem:s0], [sflag:$0xC], $0x80, s31, s6, $0xb8;
	[tilespmem:$0x1E200] =	vst v63  }
0x2e: {  	_ =	swait.ge [sflag:s20], $0x2800  }
0x2f: {  	[sflag:s20] =	ssyncset.done $0x0  }
0x30: {  	[sflag:s20] =	ssyncadd.s32 $0xFFFFD800  }
0x31: {  	_ =	swait.ge [sflag:s4], $0x80  }
0x32: {  	[sflag:s4] =	ssyncset.done $0x0  }
0x33: {  	[sflag:s4] =	ssyncadd.s32 $0xFFFFFF80  }
0x34: {  	_ =	swait.ge [sflag:s5], $0x2800  }
0x35: {  	[sflag:s5] =	ssyncset.done $0x0  }
0x36: {  	[sflag:s5] =	ssyncadd.s32 $0xFFFFD800  }
0x37: {  	[spmem:s2] =	stream.indirect.scatter.add.f32 [tilespmem:s25], [sflag:$0x9], $0x80, s24, s6, $0xb8;
	[tilespmem:$0x1E200] =	vst v63  }
0x38: {  	_ =	swait.ge [sflag:s7], $0x2800  }
0x39: {  	[sflag:s7] =	ssyncset.done $0x0  }
0x3a: {  	[sflag:s7] =	ssyncadd.s32 $0xFFFFD800  }
0x3b: {  	_ =	swait.ge [sflag:s8], $0x80  }
0x3c: {  	[sflag:s8] =	ssyncset.done $0x0  }
0x3d: {  	[sflag:s8] =	ssyncadd.s32 $0xFFFFFF80  }
0x3e: {  	_ =	swait.ge [sflag:s9], $0x2800  }
0x3f: {  	[sflag:s9] =	ssyncset.done $0x0  }
0x40: {  	[sflag:s9] =	ssyncadd.s32 $0xFFFFD800  }
0x41: {  	[spmem:s2] =	stream.indirect.scatter.add.f32 [tilespmem:s28], [sflag:$0xB], $0x80, s26, s6, $0xb8;
	[tilespmem:$0x1E200] =	vst v63  }
0x42: {  	_ =	swait.ge [sflag:s10], $0x2800  }
0x43: {  	[sflag:s10] =	ssyncset.done $0x0  }
0x44: {  	[sflag:s10] =	ssyncadd.s32 $0xFFFFD800  }
0x45: {  	[bflag:$0x0] =	sbarrier.arrive $0xFFFF  }
0x46: {  	s14 =	rddreg [dreg:$0xf]  }
0x47: {  	s1 =	rddreg [dreg:$0x10]  }
0x48: {  	s17 =	rddreg [dreg:$0x18]  }
0x49: {  	[hbm:s1], [sflag:s14] =	dma.local [spmem:s17], $0x2800  }
0x4a: {  	s17 =	simm.s32 $0xD  }
0x4b: {  	_ =	swait.ge [sflag:s17], $0x2800  }
0x4c: {  	s18 =	rddreg [dreg:$0x17]  }
0x4d: {  	s22 =	rddreg [dreg:$0x11];
	s18 =	sadd.s32 $0x1, s18  }
0x4e: {  	p0 =	sne.s32 s18, s22  }
.Ltmp1:
0x4f: {  	_ = 	snop;
	(pc) =	sbr.rel @!p0 .LBB2_5-.Ltmp1, $3  }
0x50: {  	_ =	sdelay $0x1  }
0x51: {  	[sflag:s17] =	ssyncset.done $0x0  }
0x52: {  	[sflag:s17] =	ssyncadd.s32 $0xFFFFD800  }
.LBB2_1:
0x53: {  	[dreg:$0x17] =	wrdreg s18  }
0x54: {  	s1 =	rddreg [dreg:$0x6]  }
0x55: {  	s22 =	rddreg [dreg:$0x7]  }
0x56: {  	[tilespmem:s24], [sflag:$0x5] =	stream.linear.gather [hbm4b:s1+s3], $0x80, $0x38;
	[tilespmem:$0x1E200] =	vst v63  }
0x57: {  	s18 =	rddreg [dreg:$0x8]  }
0x58: {  	[tilespmem:s25], [sflag:$0x1] =	stream.linear.gather [hbm4b:s22+s3], $0x2800, $0x38;
	[tilespmem:$0x1E200] =	vst v63  }
0x59: {  	s21 =	rddreg [dreg:$0x9]  }
0x5a: {  	[tilespmem:s26], [sflag:$0x7] =	stream.linear.gather [hbm4b:s18+s3], $0x80, $0x38;
	[tilespmem:$0x1E200] =	vst v63  }
0x5b: {  	s22 =	rddreg [dreg:$0xa]  }
0x5c: {  	[tilespmem:s28], [sflag:$0x3] =	stream.linear.gather [hbm4b:s21+s3], $0x2800, $0x38;
	[tilespmem:$0x1E200] =	vst v63  }
0x5d: {  	s18 =	rddreg [dreg:$0xb]  }
0x5e: {  	[tilespmem:s29], [sflag:$0x6] =	stream.linear.gather [hbm4b:s22+s3], $0x80, $0x38;
	[tilespmem:$0x1E200] =	vst v63  }
0x5f: {  	s21 =	rddreg [dreg:$0xc]  }
0x60: {  	[tilespmem:s30], [sflag:$0x2] =	stream.linear.gather [hbm4b:s18+s3], $0x2800, $0x38;
	[tilespmem:$0x1E200] =	vst v63  }
0x61: {  	s18 =	rddreg [dreg:$0xe]  }
0x62: {  	[tilespmem:s31], [sflag:$0x8] =	stream.linear.gather [hbm4b:s21+s3], $0x80, $0x38;
	[tilespmem:$0x1E200] =	vst v63  }
0x63: {  	s22 =	rddreg [dreg:$0xd];
	s21 =	sshrl.u32 s18, $0x3  }
0x64: {  	[dreg:$0x18] =	wrdreg s21  }
0x65: {  	[tilespmem:s0], [sflag:$0x4] =	stream.linear.gather [hbm4b:s22+s3], $0x2800, $0x38;
	[tilespmem:$0x1E200] =	vst v63  }
0x66: {  	s22 =	rddreg [dreg:$0x5]  }
0x67: {  	[spmem:s21], [sflag:s14] =	dma.local [hbm:s22], $0x2800  }
0x68: {  	_ =	swait.ge [sflag:s17], $0x2800  }
0x69: {  	[sflag:s17] =	ssyncset.done $0x0  }
0x6a: {  	[sflag:s17] =	ssyncadd.s32 $0xFFFFD800  }
0x6b: {  	[bflag:$0x0] =	sbarrier.arrive $0xFFFF  }
0x6c: {  	s1 =	rddreg [dreg:$0x15]  }
0x6d: {  	s21 =	simm.s32 $0x0;
	s14 =	rddreg [dreg:$0x14]  }
.LBB2_2:
0x6e: {  	_ =	swait.ge [sflag:s4], $0x80  }
0x6f: {  	[sflag:s4] =	ssyncset.done $0x0  }
0x70: {  	[sflag:s4] =	ssyncadd.s32 $0xFFFFFF80  }
0x71: {  	_ =	swait.ge [sflag:s5], $0x2800  }
0x72: {  	[sflag:s5] =	ssyncset.done $0x0  }
0x73: {  	[sflag:s5] =	ssyncadd.s32 $0xFFFFD800  }
0x74: {  	[spmem:s2] =	stream.indirect.scatter.add.f32 [tilespmem:s25], [sflag:$0x9], $0x80, s24, s6, $0xb8;
	[tilespmem:$0x1E200] =	vst v63  }
0x75: {  	_ =	swait.ge [sflag:s7], $0x2800  }
0x76: {  	[sflag:s7] =	ssyncset.done $0x0;
	s17 =	rddreg [dreg:$0x12]  }
0x77: {  	[sflag:s7] =	ssyncadd.s32 $0xFFFFD800;
	s17 =	sadd.s32 s21, s17  }
0x78: {  	[tilespmem:s24], [sflag:$0x5] =	stream.linear.gather [hbm4b:s17+s3], $0x80, $0x38;
	[tilespmem:$0x1E200] =	vst v63  }
0x79: {  	s17 =	sadd.s32 s1, s19  }
0x7a: {  	s22 =	sadd.s32 $0xA00, s17  }
0x7b: {  	[tilespmem:s25], [sflag:$0x1] =	stream.linear.gather [hbm4b:s22+s3], $0x2800, $0x38;
	[tilespmem:$0x1E200] =	vst v63  }
0x7c: {  	_ =	swait.ge [sflag:s8], $0x80  }
0x7d: {  	[sflag:s8] =	ssyncset.done $0x0  }
0x7e: {  	[sflag:s8] =	ssyncadd.s32 $0xFFFFFF80  }
0x7f: {  	_ =	swait.ge [sflag:s9], $0x2800  }
0x80: {  	[sflag:s9] =	ssyncset.done $0x0  }
0x81: {  	[sflag:s9] =	ssyncadd.s32 $0xFFFFD800  }
0x82: {  	[spmem:s2] =	stream.indirect.scatter.add.f32 [tilespmem:s28], [sflag:$0xB], $0x80, s26, s6, $0xb8;
	[tilespmem:$0x1E200] =	vst v63  }
0x83: {  	_ =	swait.ge [sflag:s10], $0x2800  }
0x84: {  	[sflag:s10] =	ssyncset.done $0x0;
	s18 =	rddreg [dreg:$0x13]  }
0x85: {  	s22 =	sadd.s32 s14, s19;
	[sflag:s10] =	ssyncadd.s32 $0xFFFFD800;
	s18 =	sadd.s32 s21, s18  }
0x86: {  	[tilespmem:s26], [sflag:$0x7] =	stream.linear.gather [hbm4b:s18+s3], $0x80, $0x38;
	[tilespmem:$0x1E200] =	vst v63  }
0x87: {  	s18 =	sadd.s32 $0xA00, s22  }
0x88: {  	[tilespmem:s28], [sflag:$0x3] =	stream.linear.gather [hbm4b:s18+s3], $0x2800, $0x38;
	[tilespmem:$0x1E200] =	vst v63  }
0x89: {  	_ =	swait.ge [sflag:s11], $0x80  }
0x8a: {  	[sflag:s11] =	ssyncset.done $0x0  }
0x8b: {  	[sflag:s11] =	ssyncadd.s32 $0xFFFFFF80  }
0x8c: {  	_ =	swait.ge [sflag:s12], $0x2800  }
0x8d: {  	p0 =	seq.s32 s21, $0x7A0;
	[sflag:s12] =	ssyncset.done $0x0  }
.Ltmp2:
0x8e: {  	[sflag:s12] =	ssyncadd.s32 $0xFFFFD800;
	(pc) =	sbr.rel @p0 .LBB2_4-.Ltmp2, $4  }
0x8f: {  	[spmem:s2] =	stream.indirect.scatter.add.f32 [tilespmem:s30], [sflag:$0xA], $0x80, s29, s6, $0xb8;
	[tilespmem:$0x1E200] =	vst v63  }
0x90: {  	_ =	swait.ge [sflag:s13], $0x2800  }
0x91: {  	[sflag:s13] =	ssyncset.done $0x0  }
0x92: {  	[sflag:s13] =	ssyncadd.s32 $0xFFFFD800  }
0x93: {  	s18 =	rddreg [dreg:$0x16]  }
0x94: {  	s18 =	sadd.s32 s21, s18  }
0x95: {  	[tilespmem:s29], [sflag:$0x6] =	stream.linear.gather [hbm4b:s18+s3], $0x80, $0x38;
	[tilespmem:$0x1E200] =	vst v63  }
0x96: {  	s17 =	sadd.s32 $0xF00, s17  }
0x97: {  	[tilespmem:s30], [sflag:$0x2] =	stream.linear.gather [hbm4b:s17+s3], $0x2800, $0x38;
	[tilespmem:$0x1E200] =	vst v63  }
0x98: {  	_ =	swait.ge [sflag:s15], $0x80  }
0x99: {  	[sflag:s15] =	ssyncset.done $0x0  }
0x9a: {  	[sflag:s15] =	ssyncadd.s32 $0xFFFFFF80  }
0x9b: {  	_ =	swait.ge [sflag:s16], $0x2800  }
0x9c: {  	[sflag:s16] =	ssyncset.done $0x0  }
0x9d: {  	[sflag:s16] =	ssyncadd.s32 $0xFFFFD800  }
0x9e: {  	[spmem:s2] =	stream.indirect.scatter.add.f32 [tilespmem:s0], [sflag:$0xC], $0x80, s31, s6, $0xb8;
	[tilespmem:$0x1E200] =	vst v63  }
0x9f: {  	_ =	swait.ge [sflag:s20], $0x2800  }
.Ltmp3:
0xa0: {  	[sflag:s20] =	ssyncset.done $0x0;
	(pc) =	sbr.rel .LBB2_2-.Ltmp3, $4  }
0xa1: {  	s22 =	sadd.s32 $0xF00, s22;
	s18 =	sadd.s32 s21, s23;
	[sflag:s20] =	ssyncadd.s32 $0xFFFFD800  }
0xa2: {  	[tilespmem:s31], [sflag:$0x8] =	stream.linear.gather [hbm4b:s18+s3], $0x80, $0x38;
	[tilespmem:$0x1E200] =	vst v63  }
0xa3: {  	s14 =	sadd.s32 $0xA00, s14;
	s1 =	sadd.s32 $0xA00, s1;
	s21 =	sadd.s32 $0x20, s21  }
0xa4: {  	[tilespmem:s0], [sflag:$0x4] =	stream.linear.gather [hbm4b:s22+s3], $0x2800, $0x38;
	[tilespmem:$0x1E200] =	vst v63  }
.LBB2_5:
0xa5: {  	_ =	sfence.sel $0x180000  }
0xa6: {  	[bflag:$0x0] =	sbarrier.arrive $0xFFFF  }
0xa7: {  	_ =	strace $0x90000047  }
0xa8: {  	s0 =	stileid.u32;
	[bflag:$0x2] =	sbarrier.arrive $0xFFFF  }
0xa9: {  	p0 =	sne.s32 s0, $0x0;
	s0 =	rddreg [dreg:$0x4]  }
0xaa: {  	s0 =	sadd.s32 @!p0 $0x100000, s0  }
0xab: {  	[sflag:s0] =	ssyncadd.tile.s32 @!p0 $0x1;
	_ =	shalt  }
.Lfunc_end2:
_tile_overlayer_lowered:
.L_overlay_start_2:
0xac: {  	(tag) =	ssettag $0x2  }
0xad: {  	s0 =	rddreg [dreg:$0x0];
	s2 =	stileid.u32  }
0xae: {  	s1 =	rddreg [dreg:$0x1];
	p0 =	sne.s32 s2, $0x0  }
0xaf: {  	s3 =	rddreg [dreg:$0x2];
	[bflag:$0x3] =	sbarrier.arrive $0xFFFF;
	s2 =	simm.s32 @!p0 $0x1C0D  }
0xb0: {  	[timem:s3], [sflag:s2] =	dma.local @!p0 [hbm:s0], s1  }
0xb1: {  	s0 =	simm.s32 @!p0 $0xD  }
0xb2: {  	_ =	swait.ge @!p0 [sflag:s0], s1  }
0xb3: {  	s1 =	ssub.s32 @!p0 $0x0, s1;
	[sflag:s0] =	ssyncset.done @!p0 $0x0  }
0xb4: {  	[sflag:s0] =	ssyncadd.s32 @!p0 s1  }
0xb5: {  	[bflag:$0x3] =	sbarrier.arrive $0xFFFF  }
0xb6: {  	_ =	shalt  }

</sc_bundles>
